<compile_context>
chip_gen: v7x
topology: tpu7x:2x2x1
jax: 0.10.2.dev20260603
libtpu: 0.0.44.dev20260713+nightly
codegen_flags: <defaults>
</compile_context>

<pallas_src>
import functools

import jax
import jax.numpy as jnp
from jax import lax
from jax.experimental import pallas as pl
from jax.experimental.pallas import tpu as pltpu
from jax.experimental.pallas import tpu_sc as plsc

DIM = 64
M_DIM = 16
K = 32
CPAD = 16

T1 = 512
T3 = 256

IDX_MASK = 2047
DIST_MASK = -2048


def _silu(x):
    return x * (0.5 * jnp.tanh(0.5 * x) + 0.5)



def _topk_body(base, com_ref, ct_ref, idx_ref):
    xm = com_ref[0]
    s = jnp.dot(xm, ct_ref[0], preferred_element_type=jnp.float32)
    rsum = jnp.sum(xm * xm, axis=1, keepdims=True)
    d = jnp.maximum(s + (0.25 * rsum + 0.75), 1e-30)
    bits = lax.bitcast_convert_type(d, jnp.int32)
    cols = lax.broadcasted_iota(jnp.int32, d.shape, 1)
    keys = lax.bitcast_convert_type(
        jnp.bitwise_or(jnp.bitwise_and(bits, DIST_MASK), cols), jnp.float32)
    big = jnp.float32(3.0e38)
    picked = []
    for _ in range(K):
        kmin = jnp.min(keys, axis=1, keepdims=True)
        picked.append(kmin)
        keys = jnp.where(keys == kmin, big, keys)
    allk = lax.bitcast_convert_type(
        jnp.concatenate(picked, axis=1), jnp.int32)
    idx = jnp.bitwise_and(allk, IDX_MASK) + base
    idx_ref[...] = idx.T


def _topk_call(com, ct, base):
    _, n, _ = com.shape
    grid = (1, n // T1)
    return pl.pallas_call(
        functools.partial(_topk_body, base),
        grid=grid,
        in_specs=[
            pl.BlockSpec((1, T1, CPAD), lambda b, t: (b, t, 0)),
            pl.BlockSpec((1, CPAD, n), lambda b, t: (b, 0, 0)),
        ],
        out_specs=pl.BlockSpec((K, T1), lambda b, t: (0, t)),
        out_shape=jax.ShapeDtypeStruct((K, n), jnp.int32),
    )(com, ct)



_CHUNK = 512
TBL_W = 128


def _gather_body(n_per_worker, num_cores, tbl_ref, idx_ref, out_ref,
                 idx_v, rows_v, sem):
    wid = lax.axis_index("s") * num_cores + lax.axis_index("c")
    base = wid * n_per_worker

    def chunk(i, carry):
        off = base + i * _CHUNK
        pltpu.sync_copy(idx_ref.at[pl.ds(off, _CHUNK)], idx_v)
        pltpu.async_copy(tbl_ref.at[idx_v], rows_v, sem).wait()
        pltpu.sync_copy(rows_v, out_ref.at[pl.ds(off, _CHUNK)])
        return carry

    lax.fori_loop(0, n_per_worker // _CHUNK, chunk, 0)


def _gather_call(tbl, flat_idx):
    total = flat_idx.shape[0]
    width = tbl.shape[1]
    info = plsc.get_sparse_core_info()
    nw = info.num_cores * info.num_subcores
    n_per_worker = total // nw
    mesh = plsc.VectorSubcoreMesh(core_axis_name="c", subcore_axis_name="s")
    kern = functools.partial(
        pl.kernel,
        mesh=mesh,
        out_type=jax.ShapeDtypeStruct((total, width), jnp.float32),
        scratch_types=[
            pltpu.VMEM((_CHUNK,), jnp.int32),
            pltpu.VMEM((_CHUNK, width), jnp.float32),
            pltpu.SemaphoreType.DMA,
        ],
    )(functools.partial(_gather_body, n_per_worker, info.num_cores))
    return kern(tbl, flat_idx)



def _mlp_body(feats_ref, coors_ref, gath_ref,
              we1a_ref, we1x_ref, wrd_ref, be1_ref, we2_ref, be2_ref,
              wc1_ref, bc1_ref, wc2_ref, bc2_ref,
              wn1_ref, bn1_ref, wn2_ref, bn2_ref,
              node_ref, coors_out_ref):
    fi = feats_ref[0]
    ci = coors_ref[0]
    g = gath_ref[:, 0]
    g2 = g.reshape(K * T3, TBL_W)
    fj = g2[:, :DIM]
    cj3 = g[:, :, DIM:DIM + CPAD]

    ei = jnp.dot(fi, we1a_ref[...], preferred_element_type=jnp.float32) \
        + be1_ref[...]

    rc3 = ci[None] - cj3
    rd3 = jnp.sum(rc3 * rc3, axis=2, keepdims=True)

    ne = ei.shape[1]
    fjw3 = jnp.dot(fj, we1x_ref[...],
                   preferred_element_type=jnp.float32).reshape(K, T3, ne)
    pre1 = fjw3 + ei[None] + rd3 * wrd_ref[...][None]
    h = _silu(pre1)
    m = _silu(jnp.dot(h.reshape(K * T3, ne), we2_ref[...],
                      preferred_element_type=jnp.float32)
              + be2_ref[...])

    ch = _silu(jnp.dot(m, wc1_ref[...], preferred_element_type=jnp.float32)
               + bc1_ref[...])
    cw = jnp.dot(ch, wc2_ref[...], preferred_element_type=jnp.float32) \
        + bc2_ref[...]

    co = jnp.sum(cw.reshape(K, T3, 1) * rc3, axis=0) + ci
    coors_out_ref[0] = co[:, :3]

    m_i = jnp.sum(m.reshape(K, T3, M_DIM), axis=0)
    nin = jnp.concatenate([fi, m_i], axis=1)
    nh = _silu(jnp.dot(nin, wn1_ref[...], preferred_element_type=jnp.float32)
               + bn1_ref[...])
    node_ref[0] = jnp.dot(nh, wn2_ref[...], preferred_element_type=jnp.float32) \
        + bn2_ref[...] + fi


def _mlp_call(feats, coors16, gath4, we1a, we1x, wrd, b_e1, W_e2, b_e2,
              W_c1, b_c1, W_c2, b_c2, W_n1, b_n1, W_n2, b_n2):
    bsz, n, _ = feats.shape
    grid = (bsz, n // T3)

    def wspec(shape):
        nd = len(shape)
        return pl.BlockSpec(shape, lambda b, t, _nd=nd: (0,) * _nd)

    return pl.pallas_call(
        _mlp_body,
        grid=grid,
        in_specs=[
            pl.BlockSpec((1, T3, DIM), lambda b, t: (b, t, 0)),
            pl.BlockSpec((1, T3, CPAD), lambda b, t: (b, t, 0)),
            pl.BlockSpec((K, 1, T3, TBL_W), lambda b, t: (0, t, 0, 0)),
            wspec(we1a.shape), wspec(we1x.shape), wspec(wrd.shape),
            wspec(b_e1.shape),
            wspec(W_e2.shape), wspec(b_e2.shape),
            wspec(W_c1.shape), wspec(b_c1.shape),
            wspec(W_c2.shape), wspec(b_c2.shape),
            wspec(W_n1.shape), wspec(b_n1.shape),
            wspec(W_n2.shape), wspec(b_n2.shape),
        ],
        out_specs=[
            pl.BlockSpec((1, T3, DIM), lambda b, t: (b, t, 0)),
            pl.BlockSpec((1, T3, 3), lambda b, t: (b, t, 0)),
        ],
        out_shape=[
            jax.ShapeDtypeStruct((bsz, n, DIM), jnp.float32),
            jax.ShapeDtypeStruct((bsz, n, 3), jnp.float32),
        ],
    )(feats, coors16, gath4, we1a, we1x, wrd, b_e1, W_e2, b_e2,
      W_c1, b_c1, W_c2, b_c2, W_n1, b_n1, W_n2, b_n2)



def kernel(feats, coors, W_e1, b_e1, W_e2, b_e2, W_c1, b_c1, W_c2, b_c2,
           W_n1, b_n1, W_n2, b_n2):
    bsz, n, d = feats.shape

    coors16 = jnp.concatenate(
        [coors, jnp.zeros((bsz, n, CPAD - 3), jnp.float32)], axis=-1)
    tbl = jnp.concatenate(
        [feats.reshape(bsz * n, d), coors16.reshape(bsz * n, CPAD),
         jnp.zeros((bsz * n, TBL_W - d - CPAD), jnp.float32)], axis=1)
    norms = jnp.sum(coors * coors, axis=-1, keepdims=True)
    com = jnp.concatenate(
        [-2.0 * coors, jnp.ones((bsz, n, 1), jnp.float32),
         jnp.zeros((bsz, n, CPAD - 4), jnp.float32)], axis=-1)
    ct = jnp.transpose(
        jnp.concatenate(
            [coors, norms, jnp.zeros((bsz, n, CPAD - 4), jnp.float32)],
            axis=-1), (0, 2, 1))

    gidx = [_topk_call(com[b:b + 1], ct[b:b + 1], b * n)
            for b in range(bsz)]
    gath = [_gather_call(tbl, gidx[b].reshape(n * K)) for b in range(bsz)]

    we1a = W_e1[:d]
    we1x = W_e1[d:2 * d]
    wrd = W_e1[2 * d:2 * d + 1]

    outs = [_mlp_call(feats[b:b + 1], coors16[b:b + 1],
                      gath[b].reshape(K, n // T3, T3, TBL_W),
                      we1a, we1x, wrd, b_e1, W_e2, b_e2, W_c1, b_c1,
                      W_c2, b_c2, W_n1, b_n1, W_n2, b_n2)
            for b in range(bsz)]
    node_out = jnp.concatenate([o[0] for o in outs], axis=0)
    coors_out = jnp.concatenate([o[1] for o in outs], axis=0)
    return node_out, coors_out

# --- scband reference (transcript-rebuilt; emitter-appended) ---
"""Pipeline reference for scband-egnn-11330123727315 (READ-ONLY COPY).

The authoritative reference and input builder live on the scoring server;
editing this copy changes nothing except your own understanding.
"""

import jax, jax.numpy as jnp
import numpy as np

DIM = 64
M_DIM = 16
K = 32
B = 2
N = 2048
EDGE_IN = 2 * DIM + 1  # 129


def silu(x):
    return x * jax.nn.sigmoid(x)


def setup_inputs(seed: int = 0) -> dict:
    key = jax.random.key(seed)
    ks = jax.random.split(key, 12)
    std = 0.001
    inp = {
        'feats': jax.random.normal(ks[0], (B, N, DIM), dtype=jnp.float32),
        'coors': jax.random.normal(ks[1], (B, N, 3), dtype=jnp.float32),
        # edge_mlp: Linear(129, 258) -> SiLU -> Linear(258, 16) -> SiLU
        'W_e1': jax.random.normal(ks[2], (EDGE_IN, EDGE_IN * 2), dtype=jnp.float32) * std,
        'b_e1': jnp.zeros((EDGE_IN * 2,), dtype=jnp.float32),
        'W_e2': jax.random.normal(ks[3], (EDGE_IN * 2, M_DIM), dtype=jnp.float32) * std,
        'b_e2': jnp.zeros((M_DIM,), dtype=jnp.float32),
        # coors_mlp: Linear(16, 64) -> SiLU -> Linear(64, 1)
        'W_c1': jax.random.normal(ks[4], (M_DIM, M_DIM * 4), dtype=jnp.float32) * std,
        'b_c1': jnp.zeros((M_DIM * 4,), dtype=jnp.float32),
        'W_c2': jax.random.normal(ks[5], (M_DIM * 4, 1), dtype=jnp.float32) * std,
        'b_c2': jnp.zeros((1,), dtype=jnp.float32),
        # node_mlp: Linear(80, 128) -> SiLU -> Linear(128, 64)
        'W_n1': jax.random.normal(ks[6], (DIM + M_DIM, DIM * 2), dtype=jnp.float32) * std,
        'b_n1': jnp.zeros((DIM * 2,), dtype=jnp.float32),
        'W_n2': jax.random.normal(ks[7], (DIM * 2, DIM), dtype=jnp.float32) * std,
        'b_n2': jnp.zeros((DIM,), dtype=jnp.float32),
    }
    return inp


def reference(feats, coors, W_e1, b_e1, W_e2, b_e2, W_c1, b_c1, W_c2, b_c2, W_n1, b_n1, W_n2, b_n2):
    b, n, d = feats.shape
    # pairwise relative coordinates and squared distances
    rel_coors = coors[:, :, None, :] - coors[:, None, :, :]        # (b, n, n, 3)
    rel_dist = jnp.sum(rel_coors ** 2, axis=-1, keepdims=True)     # (b, n, n, 1)
    # k-nearest neighbors (smallest squared distance)
    ranking = rel_dist[..., 0]                                     # (b, n, n)
    neg_vals, nbhd_indices = jax.lax.top_k(-ranking, K)            # smallest-k
    # gather along neighbor axis
    rel_coors_g = jnp.take_along_axis(rel_coors, nbhd_indices[..., None], axis=2)  # (b, n, K, 3)
    rel_dist_g = jnp.take_along_axis(rel_dist, nbhd_indices[..., None], axis=2)    # (b, n, K, 1)
    bidx = jnp.arange(b)[:, None, None]
    feats_j = feats[bidx, nbhd_indices]                            # (b, n, K, d)
    feats_i = jnp.broadcast_to(feats[:, :, None, :], (b, n, K, d)) # (b, n, K, d)
    edge_input = jnp.concatenate([feats_i, feats_j, rel_dist_g], axis=-1)  # (b, n, K, 2d+1)
    # edge_mlp
    h = silu(edge_input @ W_e1 + b_e1)
    m_ij = silu(h @ W_e2 + b_e2)                                   # (b, n, K, m_dim)
    # coors_mlp -> coordinate update weights
    ch = silu(m_ij @ W_c1 + b_c1)
    coor_weights = (ch @ W_c2 + b_c2)[..., 0]                      # (b, n, K)
    coors_out = jnp.einsum('bij,bijc->bic', coor_weights, rel_coors_g) + coors
    # node update (m_pool_method == 'sum')
    m_i = jnp.sum(m_ij, axis=-2)                                   # (b, n, m_dim)
    node_mlp_input = jnp.concatenate([feats, m_i], axis=-1)        # (b, n, d + m_dim)
    nh = silu(node_mlp_input @ W_n1 + b_n1)
    node_out = nh @ W_n2 + b_n2 + feats                            # residual
    return node_out, coors_out


if False:  # reference __main__ guard neutralized (emitter)
    out = reference(**setup_inputs())
    print(out[0].shape, out[1].shape)

if __name__ == "__main__":
    import jax
    _d = setup_inputs()
    print(jax.jit(kernel)(*tuple(_d.values())))

</pallas_src>

<mosaic_0001>
#map = affine_map<(d0, d1) -> (0, 0)>
#map1 = affine_map<(d0, d1) -> (0)>
module attributes {stable_mosaic.version = 14 : i64} {
  func.func @_gather_body(%arg0: i32, %arg1: i32, %arg2: memref<4096x128xf32, #tpu.memory_space<hbm>>, %arg3: memref<65536xi32, #tpu.memory_space<hbm>>, %arg4: memref<65536x128xf32, #tpu.memory_space<hbm>>, %arg5: memref<512xi32, #tpu.memory_space<vmem>>, %arg6: memref<512x128xf32, #tpu.memory_space<vmem>>, %arg7: memref<!tpu.dma_semaphore, #tpu.memory_space<semaphore_mem>>) attributes {dimension_semantics = [#tpu.dimension_semantics<core_parallel>, #tpu.dimension_semantics<subcore_parallel>], iteration_bounds = array<i64: 2, 16>, scalar_prefetch = 0 : i64, scratch_operands = 3 : i64, tpu.core_type = #tpu.core_type<sc_vector_subcore>, window_params = [{transform_indices = #map}, {transform_indices = #map1}, {transform_indices = #map}]} {
    %mul3A = arith.constant 2 : i32
    %mul3A_0 = arith.muli %arg1, %mul3A : i32
    %add3A = arith.addi %mul3A_0, %arg0 : i32
    %mul3A_1 = arith.constant 2048 : i32
    %mul3A_2 = arith.muli %add3A, %mul3A_1 : i32
    %scan3A = arith.constant 0 : i32
    %scan3A_3 = arith.constant 0 : i32
    %scan3A_4 = arith.constant 4 : i32
    %scan3A_5 = arith.addi %scan3A_3, %scan3A_4 : i32
    %scan3A_6 = arith.constant 1 : i32
    scf.for %scan3A_8 = %scan3A_3 to %scan3A_5 step %scan3A_6  : i32 {
      %mul3A_9 = arith.constant 512 : i32
      %mul3A_10 = arith.muli %scan3A_8, %mul3A_9 : i32
      %add3A_11 = arith.addi %mul3A_2, %mul3A_10 : i32
      "tpu.region"() ({
        %run_scoped3A = tpu.sem_alloc : memref<!tpu.dma_semaphore, #tpu.memory_space<semaphore_mem>>
        %dma_start3A_16 = tpu.memref_slice %arg3[%add3A_11] : memref<65536xi32, #tpu.memory_space<hbm>> -> memref<512xi32, #tpu.memory_space<hbm>>
        %dma_start3A_17 = tpu.memref_slice %arg3[%add3A_11] : memref<65536xi32, #tpu.memory_space<hbm>> -> memref<512xi32, #tpu.memory_space<hbm>>
        tpu.enqueue_dma source(%dma_start3A_17 : memref<512xi32, #tpu.memory_space<hbm>>) target(%arg5 : memref<512xi32, #tpu.memory_space<vmem>>) target_semaphore(%run_scoped3A : memref<!tpu.dma_semaphore, #tpu.memory_space<semaphore_mem>>)
        %dma_wait3A_18 = tpu.memref_slice %arg3[%add3A_11] : memref<65536xi32, #tpu.memory_space<hbm>> -> memref<512xi32, #tpu.memory_space<hbm>>
        %dma_wait3A_19 = tpu.memref_slice %arg3[%add3A_11] : memref<65536xi32, #tpu.memory_space<hbm>> -> memref<512xi32, #tpu.memory_space<hbm>>
        tpu.wait_dma2 semaphore(%run_scoped3A : memref<!tpu.dma_semaphore, #tpu.memory_space<semaphore_mem>>) src(%dma_wait3A_19 : memref<512xi32, #tpu.memory_space<hbm>>) dst(%arg5 : memref<512xi32, #tpu.memory_space<vmem>>)
        tpu.yield
      }) : () -> ()
      %dma_start3A = arith.constant 0 : i32
      %dma_start3A_12 = arith.constant 0 : i32
      %dma_start3A_13 = tpu.memref_slice %arg2[%dma_start3A, %dma_start3A_12] : memref<4096x128xf32, #tpu.memory_space<hbm>> -> memref<4096x128xf32, #tpu.memory_space<hbm>>
      tpu.enqueue_indirect_dma source(%dma_start3A_13 : memref<4096x128xf32, #tpu.memory_space<hbm>>) target(%arg6 : memref<512x128xf32, #tpu.memory_space<vmem>>) offsets(%arg5 : memref<512xi32, #tpu.memory_space<vmem>>) semaphore(%arg7 : memref<!tpu.dma_semaphore, #tpu.memory_space<semaphore_mem>>)
      %dma_wait3A = arith.constant 0 : i32
      %dma_wait3A_14 = arith.constant 0 : i32
      %dma_wait3A_15 = tpu.memref_slice %arg2[%dma_wait3A, %dma_wait3A_14] : memref<4096x128xf32, #tpu.memory_space<hbm>> -> memref<4096x128xf32, #tpu.memory_space<hbm>>
      tpu.wait_indirect_dma semaphore(%arg7 : memref<!tpu.dma_semaphore, #tpu.memory_space<semaphore_mem>>) src(%dma_wait3A_15 : memref<4096x128xf32, #tpu.memory_space<hbm>>) dst(%arg6 : memref<512x128xf32, #tpu.memory_space<vmem>>)
      "tpu.region"() ({
        %run_scoped3A = tpu.sem_alloc : memref<!tpu.dma_semaphore, #tpu.memory_space<semaphore_mem>>
        %dma_start3A_16 = arith.constant 0 : i32
        %dma_start3A_17 = tpu.memref_slice %arg4[%add3A_11, %dma_start3A_16] : memref<65536x128xf32, #tpu.memory_space<hbm>> -> memref<512x128xf32, #tpu.memory_space<hbm>>
        %dma_start3A_18 = arith.constant 0 : i32
        %dma_start3A_19 = tpu.memref_slice %arg4[%add3A_11, %dma_start3A_18] : memref<65536x128xf32, #tpu.memory_space<hbm>> -> memref<512x128xf32, #tpu.memory_space<hbm>>
        tpu.enqueue_dma source(%arg6 : memref<512x128xf32, #tpu.memory_space<vmem>>) target(%dma_start3A_19 : memref<512x128xf32, #tpu.memory_space<hbm>>) target_semaphore(%run_scoped3A : memref<!tpu.dma_semaphore, #tpu.memory_space<semaphore_mem>>)
        %dma_wait3A_20 = arith.constant 0 : i32
        %dma_wait3A_21 = tpu.memref_slice %arg4[%add3A_11, %dma_wait3A_20] : memref<65536x128xf32, #tpu.memory_space<hbm>> -> memref<512x128xf32, #tpu.memory_space<hbm>>
        %dma_wait3A_22 = arith.constant 0 : i32
        %dma_wait3A_23 = tpu.memref_slice %arg4[%add3A_11, %dma_wait3A_22] : memref<65536x128xf32, #tpu.memory_space<hbm>> -> memref<512x128xf32, #tpu.memory_space<hbm>>
        tpu.wait_dma2 semaphore(%run_scoped3A : memref<!tpu.dma_semaphore, #tpu.memory_space<semaphore_mem>>) src(%arg6 : memref<512x128xf32, #tpu.memory_space<vmem>>) dst(%dma_wait3A_23 : memref<512x128xf32, #tpu.memory_space<hbm>>)
        tpu.yield
      }) : () -> ()
    }
    %scan3A_7 = arith.constant 4 : i32
    return
  }
}

#map = affine_map<(d0, d1) -> (0, 0)>
#map1 = affine_map<(d0, d1) -> (0)>
module attributes {stable_mosaic.version = 14 : i64} {
  func.func @_gather_body(%arg0: i32, %arg1: i32, %arg2: memref<4096x128xf32, #tpu.memory_space<hbm>>, %arg3: memref<65536xi32, #tpu.memory_space<hbm>>, %arg4: memref<65536x128xf32, #tpu.memory_space<hbm>>, %arg5: memref<512xi32, #tpu.memory_space<vmem>>, %arg6: memref<512x128xf32, #tpu.memory_space<vmem>>, %arg7: memref<!tpu.dma_semaphore, #tpu.memory_space<semaphore_mem>>) attributes {dimension_semantics = [#tpu.dimension_semantics<core_parallel>, #tpu.dimension_semantics<subcore_parallel>], iteration_bounds = array<i64: 2, 16>, scalar_prefetch = 0 : i64, scratch_operands = 3 : i64, tpu.core_type = #tpu.core_type<sc_vector_subcore>, window_params = [{transform_indices = #map}, {transform_indices = #map1}, {transform_indices = #map}]} {
    %mul3A = arith.constant 2 : i32
    %mul3A_0 = arith.muli %arg1, %mul3A : i32
    %add3A = arith.addi %mul3A_0, %arg0 : i32
    %mul3A_1 = arith.constant 2048 : i32
    %mul3A_2 = arith.muli %add3A, %mul3A_1 : i32
    %scan3A = arith.constant 0 : i32
    %scan3A_3 = arith.constant 0 : i32
    %scan3A_4 = arith.constant 4 : i32
    %scan3A_5 = arith.addi %scan3A_3, %scan3A_4 : i32
    %scan3A_6 = arith.constant 1 : i32
    scf.for %scan3A_8 = %scan3A_3 to %scan3A_5 step %scan3A_6  : i32 {
      %mul3A_9 = arith.constant 512 : i32
      %mul3A_10 = arith.muli %scan3A_8, %mul3A_9 : i32
      %add3A_11 = arith.addi %mul3A_2, %mul3A_10 : i32
      "tpu.region"() ({
        %run_scoped3A = tpu.sem_alloc : memref<!tpu.dma_semaphore, #tpu.memory_space<semaphore_mem>>
        %dma_start3A_16 = tpu.memref_slice %arg3[%add3A_11] : memref<65536xi32, #tpu.memory_space<hbm>> -> memref<512xi32, #tpu.memory_space<hbm>>
        %dma_start3A_17 = tpu.memref_slice %arg3[%add3A_11] : memref<65536xi32, #tpu.memory_space<hbm>> -> memref<512xi32, #tpu.memory_space<hbm>>
        tpu.enqueue_dma source(%dma_start3A_17 : memref<512xi32, #tpu.memory_space<hbm>>) target(%arg5 : memref<512xi32, #tpu.memory_space<vmem>>) target_semaphore(%run_scoped3A : memref<!tpu.dma_semaphore, #tpu.memory_space<semaphore_mem>>)
        %dma_wait3A_18 = tpu.memref_slice %arg3[%add3A_11] : memref<65536xi32, #tpu.memory_space<hbm>> -> memref<512xi32, #tpu.memory_space<hbm>>
        %dma_wait3A_19 = tpu.memref_slice %arg3[%add3A_11] : memref<65536xi32, #tpu.memory_space<hbm>> -> memref<512xi32, #tpu.memory_space<hbm>>
        tpu.wait_dma2 semaphore(%run_scoped3A : memref<!tpu.dma_semaphore, #tpu.memory_space<semaphore_mem>>) src(%dma_wait3A_19 : memref<512xi32, #tpu.memory_space<hbm>>) dst(%arg5 : memref<512xi32, #tpu.memory_space<vmem>>)
        tpu.yield
      }) : () -> ()
      %dma_start3A = arith.constant 0 : i32
      %dma_start3A_12 = arith.constant 0 : i32
      %dma_start3A_13 = tpu.memref_slice %arg2[%dma_start3A, %dma_start3A_12] : memref<4096x128xf32, #tpu.memory_space<hbm>> -> memref<4096x128xf32, #tpu.memory_space<hbm>>
      tpu.enqueue_indirect_dma source(%dma_start3A_13 : memref<4096x128xf32, #tpu.memory_space<hbm>>) target(%arg6 : memref<512x128xf32, #tpu.memory_space<vmem>>) offsets(%arg5 : memref<512xi32, #tpu.memory_space<vmem>>) semaphore(%arg7 : memref<!tpu.dma_semaphore, #tpu.memory_space<semaphore_mem>>)
      %dma_wait3A = arith.constant 0 : i32
      %dma_wait3A_14 = arith.constant 0 : i32
      %dma_wait3A_15 = tpu.memref_slice %arg2[%dma_wait3A, %dma_wait3A_14] : memref<4096x128xf32, #tpu.memory_space<hbm>> -> memref<4096x128xf32, #tpu.memory_space<hbm>>
      tpu.wait_indirect_dma semaphore(%arg7 : memref<!tpu.dma_semaphore, #tpu.memory_space<semaphore_mem>>) src(%dma_wait3A_15 : memref<4096x128xf32, #tpu.memory_space<hbm>>) dst(%arg6 : memref<512x128xf32, #tpu.memory_space<vmem>>)
      "tpu.region"() ({
        %run_scoped3A = tpu.sem_alloc : memref<!tpu.dma_semaphore, #tpu.memory_space<semaphore_mem>>
        %dma_start3A_16 = arith.constant 0 : i32
        %dma_start3A_17 = tpu.memref_slice %arg4[%add3A_11, %dma_start3A_16] : memref<65536x128xf32, #tpu.memory_space<hbm>> -> memref<512x128xf32, #tpu.memory_space<hbm>>
        %dma_start3A_18 = arith.constant 0 : i32
        %dma_start3A_19 = tpu.memref_slice %arg4[%add3A_11, %dma_start3A_18] : memref<65536x128xf32, #tpu.memory_space<hbm>> -> memref<512x128xf32, #tpu.memory_space<hbm>>
        tpu.enqueue_dma source(%arg6 : memref<512x128xf32, #tpu.memory_space<vmem>>) target(%dma_start3A_19 : memref<512x128xf32, #tpu.memory_space<hbm>>) target_semaphore(%run_scoped3A : memref<!tpu.dma_semaphore, #tpu.memory_space<semaphore_mem>>)
        %dma_wait3A_20 = arith.constant 0 : i32
        %dma_wait3A_21 = tpu.memref_slice %arg4[%add3A_11, %dma_wait3A_20] : memref<65536x128xf32, #tpu.memory_space<hbm>> -> memref<512x128xf32, #tpu.memory_space<hbm>>
        %dma_wait3A_22 = arith.constant 0 : i32
        %dma_wait3A_23 = tpu.memref_slice %arg4[%add3A_11, %dma_wait3A_22] : memref<65536x128xf32, #tpu.memory_space<hbm>> -> memref<512x128xf32, #tpu.memory_space<hbm>>
        tpu.wait_dma2 semaphore(%run_scoped3A : memref<!tpu.dma_semaphore, #tpu.memory_space<semaphore_mem>>) src(%arg6 : memref<512x128xf32, #tpu.memory_space<vmem>>) dst(%dma_wait3A_23 : memref<512x128xf32, #tpu.memory_space<hbm>>)
        tpu.yield
      }) : () -> ()
    }
    %scan3A_7 = arith.constant 4 : i32
    return
  }
}

module attributes {stable_mosaic.version = 14 : i64} {
  func.func @_topk_body(%arg0: i32, %arg1: i32, %arg2: memref<1x512x16xf32, #tpu.memory_space<vmem>>, %arg3: memref<1x16x2048xf32, #tpu.memory_space<vmem>>, %arg4: memref<32x512xi32, #tpu.memory_space<vmem>>) attributes {dimension_semantics = [#tpu.dimension_semantics<arbitrary>, #tpu.dimension_semantics<arbitrary>], iteration_bounds = array<i64: 1, 4>, scalar_prefetch = 0 : i64, scratch_operands = 0 : i64, tpu.core_type = #tpu.core_type<tc>, window_params = [{transform_indices = @transform_0, window_bounds = array<i64: 1, 512, 16>}, {transform_indices = @transform_1, window_bounds = array<i64: 1, 16, 2048>}, {transform_indices = @transform_2, window_bounds = array<i64: 32, 512>}]} {
    %get3A = arith.constant 0 : index
    %get3A_0 = arith.constant 0 : index
    %get3A_1 = arith.constant 0 : index
    %get3A_2 = vector.load %arg2[%get3A, %get3A_0, %get3A_1] : memref<1x512x16xf32, #tpu.memory_space<vmem>>, vector<1x512x16xf32>
    %get3A_3 = vector.shape_cast %get3A_2 : vector<1x512x16xf32> to vector<512x16xf32>
    %get3A_4 = arith.constant 0 : index
    %get3A_5 = arith.constant 0 : index
    %get3A_6 = arith.constant 0 : index
    %get3A_7 = vector.load %arg3[%get3A_4, %get3A_5, %get3A_6] : memref<1x16x2048xf32, #tpu.memory_space<vmem>>, vector<1x16x2048xf32>
    %get3A_8 = vector.shape_cast %get3A_7 : vector<1x16x2048xf32> to vector<16x2048xf32>
    %dot_general3A = arith.constant dense<0.000000e+00> : vector<512x2048xf32>
    %dot_general3A_9 = tpu.matmul %get3A_3, %get3A_8, %dot_general3A {dimension_numbers = #tpu.dot_dimension_numbers<[1], [0], [0], [1], [0, 0, 1, 1], [], []>, transpose_lhs_hint = false} : vector<512x16xf32>, vector<16x2048xf32>, vector<512x2048xf32> -> vector<512x2048xf32>
    %mul3A = arith.mulf %get3A_3, %get3A_3 : vector<512x16xf32>
    %reduce_sum3A = arith.constant dense<0.000000e+00> : vector<512xf32>
    %reduce_sum3A_10 = vector.multi_reduction <add>, %mul3A, %reduce_sum3A [1] : vector<512x16xf32> to vector<512xf32>
    %broadcast_in_dim3A = vector.shape_cast %reduce_sum3A_10 : vector<512xf32> to vector<512x1xf32>
    %mul3A_11 = arith.constant 2.500000e-01 : f32
    %mul3A_12 = vector.broadcast %mul3A_11 : f32 to vector<512x1xf32>
    %mul3A_13 = arith.mulf %mul3A_12, %broadcast_in_dim3A : vector<512x1xf32>
    %add3A = arith.constant 7.500000e-01 : f32
    %add3A_14 = vector.broadcast %add3A : f32 to vector<512x1xf32>
    %add3A_15 = arith.addf %mul3A_13, %add3A_14 : vector<512x1xf32>
    %add3A_16 = vector.broadcast %add3A_15 : vector<512x1xf32> to vector<512x2048xf32>
    %add3A_17 = arith.addf %dot_general3A_9, %add3A_16 : vector<512x2048xf32>
    %max3A = arith.constant 1.000000e-30 : f32
    %max3A_18 = vector.broadcast %max3A : f32 to vector<512x2048xf32>
    %max3A_19 = arith.maximumf %add3A_17, %max3A_18 : vector<512x2048xf32>
    %bitcast_convert_type3A = tpu.bitcast %max3A_19 : vector<512x2048xf32> -> vector<512x2048xi32>
    %iota3A = tpu.iota {dimensions = array<i32: 1>} : vector<512x2048xi32>
    %and3A = arith.constant -2048 : i32
    %and3A_20 = vector.broadcast %and3A : i32 to vector<512x2048xi32>
    %and3A_21 = arith.andi %bitcast_convert_type3A, %and3A_20 : vector<512x2048xi32>
    %or3A = arith.ori %and3A_21, %iota3A : vector<512x2048xi32>
    %bitcast_convert_type3A_22 = tpu.bitcast %or3A : vector<512x2048xi32> -> vector<512x2048xf32>
    %reduce_min3A = arith.constant dense<0x7F800000> : vector<512xf32>
    %reduce_min3A_23 = vector.multi_reduction <minimumf>, %bitcast_convert_type3A_22, %reduce_min3A [1] : vector<512x2048xf32> to vector<512xf32>
    %broadcast_in_dim3A_24 = vector.shape_cast %reduce_min3A_23 : vector<512xf32> to vector<512x1xf32>
    %eq3A = vector.broadcast %broadcast_in_dim3A_24 : vector<512x1xf32> to vector<512x2048xf32>
    %eq3A_25 = arith.cmpf oeq, %bitcast_convert_type3A_22, %eq3A : vector<512x2048xf32>
    %jit3A = arith.constant 3.000000e+38 : f32
    %broadcast_in_dim3A_26 = vector.broadcast %jit3A : f32 to vector<512x2048xf32>
    %select_n3A = arith.select %eq3A_25, %broadcast_in_dim3A_26, %bitcast_convert_type3A_22 : vector<512x2048xi1>, vector<512x2048xf32>
    %reduce_min3A_27 = arith.constant dense<0x7F800000> : vector<512xf32>
    %reduce_min3A_28 = vector.multi_reduction <minimumf>, %select_n3A, %reduce_min3A_27 [1] : vector<512x2048xf32> to vector<512xf32>
    %broadcast_in_dim3A_29 = vector.shape_cast %reduce_min3A_28 : vector<512xf32> to vector<512x1xf32>
    %eq3A_30 = vector.broadcast %broadcast_in_dim3A_29 : vector<512x1xf32> to vector<512x2048xf32>
    %eq3A_31 = arith.cmpf oeq, %select_n3A, %eq3A_30 : vector<512x2048xf32>
    %jit3A_32 = arith.constant 3.000000e+38 : f32
    %broadcast_in_dim3A_33 = vector.broadcast %jit3A_32 : f32 to vector<512x2048xf32>
    %select_n3A_34 = arith.select %eq3A_31, %broadcast_in_dim3A_33, %select_n3A : vector<512x2048xi1>, vector<512x2048xf32>
    %reduce_min3A_35 = arith.constant dense<0x7F800000> : vector<512xf32>
    %reduce_min3A_36 = vector.multi_reduction <minimumf>, %select_n3A_34, %reduce_min3A_35 [1] : vector<512x2048xf32> to vector<512xf32>
    %broadcast_in_dim3A_37 = vector.shape_cast %reduce_min3A_36 : vector<512xf32> to vector<512x1xf32>
    %eq3A_38 = vector.broadcast %broadcast_in_dim3A_37 : vector<512x1xf32> to vector<512x2048xf32>
    %eq3A_39 = arith.cmpf oeq, %select_n3A_34, %eq3A_38 : vector<512x2048xf32>
    %jit3A_40 = arith.constant 3.000000e+38 : f32
    %broadcast_in_dim3A_41 = vector.broadcast %jit3A_40 : f32 to vector<512x2048xf32>
    %select_n3A_42 = arith.select %eq3A_39, %broadcast_in_dim3A_41, %select_n3A_34 : vector<512x2048xi1>, vector<512x2048xf32>
    %reduce_min3A_43 = arith.constant dense<0x7F800000> : vector<512xf32>
    %reduce_min3A_44 = vector.multi_reduction <minimumf>, %select_n3A_42, %reduce_min3A_43 [1] : vector<512x2048xf32> to vector<512xf32>
    %broadcast_in_dim3A_45 = vector.shape_cast %reduce_min3A_44 : vector<512xf32> to vector<512x1xf32>
    %eq3A_46 = vector.broadcast %broadcast_in_dim3A_45 : vector<512x1xf32> to vector<512x2048xf32>
    %eq3A_47 = arith.cmpf oeq, %select_n3A_42, %eq3A_46 : vector<512x2048xf32>
    %jit3A_48 = arith.constant 3.000000e+38 : f32
    %broadcast_in_dim3A_49 = vector.broadcast %jit3A_48 : f32 to vector<512x2048xf32>
    %select_n3A_50 = arith.select %eq3A_47, %broadcast_in_dim3A_49, %select_n3A_42 : vector<512x2048xi1>, vector<512x2048xf32>
    %reduce_min3A_51 = arith.constant dense<0x7F800000> : vector<512xf32>
    %reduce_min3A_52 = vector.multi_reduction <minimumf>, %select_n3A_50, %reduce_min3A_51 [1] : vector<512x2048xf32> to vector<512xf32>
    %broadcast_in_dim3A_53 = vector.shape_cast %reduce_min3A_52 : vector<512xf32> to vector<512x1xf32>
    %eq3A_54 = vector.broadcast %broadcast_in_dim3A_53 : vector<512x1xf32> to vector<512x2048xf32>
    %eq3A_55 = arith.cmpf oeq, %select_n3A_50, %eq3A_54 : vector<512x2048xf32>
    %jit3A_56 = arith.constant 3.000000e+38 : f32
    %broadcast_in_dim3A_57 = vector.broadcast %jit3A_56 : f32 to vector<512x2048xf32>
    %select_n3A_58 = arith.select %eq3A_55, %broadcast_in_dim3A_57, %select_n3A_50 : vector<512x2048xi1>, vector<512x2048xf32>
    %reduce_min3A_59 = arith.constant dense<0x7F800000> : vector<512xf32>
    %reduce_min3A_60 = vector.multi_reduction <minimumf>, %select_n3A_58, %reduce_min3A_59 [1] : vector<512x2048xf32> to vector<512xf32>
    %broadcast_in_dim3A_61 = vector.shape_cast %reduce_min3A_60 : vector<512xf32> to vector<512x1xf32>
    %eq3A_62 = vector.broadcast %broadcast_in_dim3A_61 : vector<512x1xf32> to vector<512x2048xf32>
    %eq3A_63 = arith.cmpf oeq, %select_n3A_58, %eq3A_62 : vector<512x2048xf32>
    %jit3A_64 = arith.constant 3.000000e+38 : f32
    %broadcast_in_dim3A_65 = vector.broadcast %jit3A_64 : f32 to vector<512x2048xf32>
    %select_n3A_66 = arith.select %eq3A_63, %broadcast_in_dim3A_65, %select_n3A_58 : vector<512x2048xi1>, vector<512x2048xf32>
    %reduce_min3A_67 = arith.constant dense<0x7F800000> : vector<512xf32>
    %reduce_min3A_68 = vector.multi_reduction <minimumf>, %select_n3A_66, %reduce_min3A_67 [1] : vector<512x2048xf32> to vector<512xf32>
    %broadcast_in_dim3A_69 = vector.shape_cast %reduce_min3A_68 : vector<512xf32> to vector<512x1xf32>
    %eq3A_70 = vector.broadcast %broadcast_in_dim3A_69 : vector<512x1xf32> to vector<512x2048xf32>
    %eq3A_71 = arith.cmpf oeq, %select_n3A_66, %eq3A_70 : vector<512x2048xf32>
    %jit3A_72 = arith.constant 3.000000e+38 : f32
    %broadcast_in_dim3A_73 = vector.broadcast %jit3A_72 : f32 to vector<512x2048xf32>
    %select_n3A_74 = arith.select %eq3A_71, %broadcast_in_dim3A_73, %select_n3A_66 : vector<512x2048xi1>, vector<512x2048xf32>
    %reduce_min3A_75 = arith.constant dense<0x7F800000> : vector<512xf32>
    %reduce_min3A_76 = vector.multi_reduction <minimumf>, %select_n3A_74, %reduce_min3A_75 [1] : vector<512x2048xf32> to vector<512xf32>
    %broadcast_in_dim3A_77 = vector.shape_cast %reduce_min3A_76 : vector<512xf32> to vector<512x1xf32>
    %eq3A_78 = vector.broadcast %broadcast_in_dim3A_77 : vector<512x1xf32> to vector<512x2048xf32>
    %eq3A_79 = arith.cmpf oeq, %select_n3A_74, %eq3A_78 : vector<512x2048xf32>
    %jit3A_80 = arith.constant 3.000000e+38 : f32
    %broadcast_in_dim3A_81 = vector.broadcast %jit3A_80 : f32 to vector<512x2048xf32>
    %select_n3A_82 = arith.select %eq3A_79, %broadcast_in_dim3A_81, %select_n3A_74 : vector<512x2048xi1>, vector<512x2048xf32>
    %reduce_min3A_83 = arith.constant dense<0x7F800000> : vector<512xf32>
    %reduce_min3A_84 = vector.multi_reduction <minimumf>, %select_n3A_82, %reduce_min3A_83 [1] : vector<512x2048xf32> to vector<512xf32>
    %broadcast_in_dim3A_85 = vector.shape_cast %reduce_min3A_84 : vector<512xf32> to vector<512x1xf32>
    %eq3A_86 = vector.broadcast %broadcast_in_dim3A_85 : vector<512x1xf32> to vector<512x2048xf32>
    %eq3A_87 = arith.cmpf oeq, %select_n3A_82, %eq3A_86 : vector<512x2048xf32>
    %jit3A_88 = arith.constant 3.000000e+38 : f32
    %broadcast_in_dim3A_89 = vector.broadcast %jit3A_88 : f32 to vector<512x2048xf32>
    %select_n3A_90 = arith.select %eq3A_87, %broadcast_in_dim3A_89, %select_n3A_82 : vector<512x2048xi1>, vector<512x2048xf32>
    %reduce_min3A_91 = arith.constant dense<0x7F800000> : vector<512xf32>
    %reduce_min3A_92 = vector.multi_reduction <minimumf>, %select_n3A_90, %reduce_min3A_91 [1] : vector<512x2048xf32> to vector<512xf32>
    %broadcast_in_dim3A_93 = vector.shape_cast %reduce_min3A_92 : vector<512xf32> to vector<512x1xf32>
    %eq3A_94 = vector.broadcast %broadcast_in_dim3A_93 : vector<512x1xf32> to vector<512x2048xf32>
    %eq3A_95 = arith.cmpf oeq, %select_n3A_90, %eq3A_94 : vector<512x2048xf32>
    %jit3A_96 = arith.constant 3.000000e+38 : f32
    %broadcast_in_dim3A_97 = vector.broadcast %jit3A_96 : f32 to vector<512x2048xf32>
    %select_n3A_98 = arith.select %eq3A_95, %broadcast_in_dim3A_97, %select_n3A_90 : vector<512x2048xi1>, vector<512x2048xf32>
    %reduce_min3A_99 = arith.constant dense<0x7F800000> : vector<512xf32>
    %reduce_min3A_100 = vector.multi_reduction <minimumf>, %select_n3A_98, %reduce_min3A_99 [1] : vector<512x2048xf32> to vector<512xf32>
    %broadcast_in_dim3A_101 = vector.shape_cast %reduce_min3A_100 : vector<512xf32> to vector<512x1xf32>
    %eq3A_102 = vector.broadcast %broadcast_in_dim3A_101 : vector<512x1xf32> to vector<512x2048xf32>
    %eq3A_103 = arith.cmpf oeq, %select_n3A_98, %eq3A_102 : vector<512x2048xf32>
    %jit3A_104 = arith.constant 3.000000e+38 : f32
    %broadcast_in_dim3A_105 = vector.broadcast %jit3A_104 : f32 to vector<512x2048xf32>
    %select_n3A_106 = arith.select %eq3A_103, %broadcast_in_dim3A_105, %select_n3A_98 : vector<512x2048xi1>, vector<512x2048xf32>
    %reduce_min3A_107 = arith.constant dense<0x7F800000> : vector<512xf32>
    %reduce_min3A_108 = vector.multi_reduction <minimumf>, %select_n3A_106, %reduce_min3A_107 [1] : vector<512x2048xf32> to vector<512xf32>
    %broadcast_in_dim3A_109 = vector.shape_cast %reduce_min3A_108 : vector<512xf32> to vector<512x1xf32>
    %eq3A_110 = vector.broadcast %broadcast_in_dim3A_109 : vector<512x1xf32> to vector<512x2048xf32>
    %eq3A_111 = arith.cmpf oeq, %select_n3A_106, %eq3A_110 : vector<512x2048xf32>
    %jit3A_112 = arith.constant 3.000000e+38 : f32
    %broadcast_in_dim3A_113 = vector.broadcast %jit3A_112 : f32 to vector<512x2048xf32>
    %select_n3A_114 = arith.select %eq3A_111, %broadcast_in_dim3A_113, %select_n3A_106 : vector<512x2048xi1>, vector<512x2048xf32>
    %reduce_min3A_115 = arith.constant dense<0x7F800000> : vector<512xf32>
    %reduce_min3A_116 = vector.multi_reduction <minimumf>, %select_n3A_114, %reduce_min3A_115 [1] : vector<512x2048xf32> to vector<512xf32>
    %broadcast_in_dim3A_117 = vector.shape_cast %reduce_min3A_116 : vector<512xf32> to vector<512x1xf32>
    %eq3A_118 = vector.broadcast %broadcast_in_dim3A_117 : vector<512x1xf32> to vector<512x2048xf32>
    %eq3A_119 = arith.cmpf oeq, %select_n3A_114, %eq3A_118 : vector<512x2048xf32>
    %jit3A_120 = arith.constant 3.000000e+38 : f32
    %broadcast_in_dim3A_121 = vector.broadcast %jit3A_120 : f32 to vector<512x2048xf32>
    %select_n3A_122 = arith.select %eq3A_119, %broadcast_in_dim3A_121, %select_n3A_114 : vector<512x2048xi1>, vector<512x2048xf32>
    %reduce_min3A_123 = arith.constant dense<0x7F800000> : vector<512xf32>
    %reduce_min3A_124 = vector.multi_reduction <minimumf>, %select_n3A_122, %reduce_min3A_123 [1] : vector<512x2048xf32> to vector<512xf32>
    %broadcast_in_dim3A_125 = vector.shape_cast %reduce_min3A_124 : vector<512xf32> to vector<512x1xf32>
    %eq3A_126 = vector.broadcast %broadcast_in_dim3A_125 : vector<512x1xf32> to vector<512x2048xf32>
    %eq3A_127 = arith.cmpf oeq, %select_n3A_122, %eq3A_126 : vector<512x2048xf32>
    %jit3A_128 = arith.constant 3.000000e+38 : f32
    %broadcast_in_dim3A_129 = vector.broadcast %jit3A_128 : f32 to vector<512x2048xf32>
    %select_n3A_130 = arith.select %eq3A_127, %broadcast_in_dim3A_129, %select_n3A_122 : vector<512x2048xi1>, vector<512x2048xf32>
    %reduce_min3A_131 = arith.constant dense<0x7F800000> : vector<512xf32>
    %reduce_min3A_132 = vector.multi_reduction <minimumf>, %select_n3A_130, %reduce_min3A_131 [1] : vector<512x2048xf32> to vector<512xf32>
    %broadcast_in_dim3A_133 = vector.shape_cast %reduce_min3A_132 : vector<512xf32> to vector<512x1xf32>
    %eq3A_134 = vector.broadcast %broadcast_in_dim3A_133 : vector<512x1xf32> to vector<512x2048xf32>
    %eq3A_135 = arith.cmpf oeq, %select_n3A_130, %eq3A_134 : vector<512x2048xf32>
    %jit3A_136 = arith.constant 3.000000e+38 : f32
    %broadcast_in_dim3A_137 = vector.broadcast %jit3A_136 : f32 to vector<512x2048xf32>
    %select_n3A_138 = arith.select %eq3A_135, %broadcast_in_dim3A_137, %select_n3A_130 : vector<512x2048xi1>, vector<512x2048xf32>
    %reduce_min3A_139 = arith.constant dense<0x7F800000> : vector<512xf32>
    %reduce_min3A_140 = vector.multi_reduction <minimumf>, %select_n3A_138, %reduce_min3A_139 [1] : vector<512x2048xf32> to vector<512xf32>
    %broadcast_in_dim3A_141 = vector.shape_cast %reduce_min3A_140 : vector<512xf32> to vector<512x1xf32>
    %eq3A_142 = vector.broadcast %broadcast_in_dim3A_141 : vector<512x1xf32> to vector<512x2048xf32>
    %eq3A_143 = arith.cmpf oeq, %select_n3A_138, %eq3A_142 : vector<512x2048xf32>
    %jit3A_144 = arith.constant 3.000000e+38 : f32
    %broadcast_in_dim3A_145 = vector.broadcast %jit3A_144 : f32 to vector<512x2048xf32>
    %select_n3A_146 = arith.select %eq3A_143, %broadcast_in_dim3A_145, %select_n3A_138 : vector<512x2048xi1>, vector<512x2048xf32>
    %reduce_min3A_147 = arith.constant dense<0x7F800000> : vector<512xf32>
    %reduce_min3A_148 = vector.multi_reduction <minimumf>, %select_n3A_146, %reduce_min3A_147 [1] : vector<512x2048xf32> to vector<512xf32>
    %broadcast_in_dim3A_149 = vector.shape_cast %reduce_min3A_148 : vector<512xf32> to vector<512x1xf32>
    %eq3A_150 = vector.broadcast %broadcast_in_dim3A_149 : vector<512x1xf32> to vector<512x2048xf32>
    %eq3A_151 = arith.cmpf oeq, %select_n3A_146, %eq3A_150 : vector<512x2048xf32>
    %jit3A_152 = arith.constant 3.000000e+38 : f32
    %broadcast_in_dim3A_153 = vector.broadcast %jit3A_152 : f32 to vector<512x2048xf32>
    %select_n3A_154 = arith.select %eq3A_151, %broadcast_in_dim3A_153, %select_n3A_146 : vector<512x2048xi1>, vector<512x2048xf32>
    %reduce_min3A_155 = arith.constant dense<0x7F800000> : vector<512xf32>
    %reduce_min3A_156 = vector.multi_reduction <minimumf>, %select_n3A_154, %reduce_min3A_155 [1] : vector<512x2048xf32> to vector<512xf32>
    %broadcast_in_dim3A_157 = vector.shape_cast %reduce_min3A_156 : vector<512xf32> to vector<512x1xf32>
    %eq3A_158 = vector.broadcast %broadcast_in_dim3A_157 : vector<512x1xf32> to vector<512x2048xf32>
    %eq3A_159 = arith.cmpf oeq, %select_n3A_154, %eq3A_158 : vector<512x2048xf32>
    %jit3A_160 = arith.constant 3.000000e+38 : f32
    %broadcast_in_dim3A_161 = vector.broadcast %jit3A_160 : f32 to vector<512x2048xf32>
    %select_n3A_162 = arith.select %eq3A_159, %broadcast_in_dim3A_161, %select_n3A_154 : vector<512x2048xi1>, vector<512x2048xf32>
    %reduce_min3A_163 = arith.constant dense<0x7F800000> : vector<512xf32>
    %reduce_min3A_164 = vector.multi_reduction <minimumf>, %select_n3A_162, %reduce_min3A_163 [1] : vector<512x2048xf32> to vector<512xf32>
    %broadcast_in_dim3A_165 = vector.shape_cast %reduce_min3A_164 : vector<512xf32> to vector<512x1xf32>
    %eq3A_166 = vector.broadcast %broadcast_in_dim3A_165 : vector<512x1xf32> to vector<512x2048xf32>
    %eq3A_167 = arith.cmpf oeq, %select_n3A_162, %eq3A_166 : vector<512x2048xf32>
    %jit3A_168 = arith.constant 3.000000e+38 : f32
    %broadcast_in_dim3A_169 = vector.broadcast %jit3A_168 : f32 to vector<512x2048xf32>
    %select_n3A_170 = arith.select %eq3A_167, %broadcast_in_dim3A_169, %select_n3A_162 : vector<512x2048xi1>, vector<512x2048xf32>
    %reduce_min3A_171 = arith.constant dense<0x7F800000> : vector<512xf32>
    %reduce_min3A_172 = vector.multi_reduction <minimumf>, %select_n3A_170, %reduce_min3A_171 [1] : vector<512x2048xf32> to vector<512xf32>
    %broadcast_in_dim3A_173 = vector.shape_cast %reduce_min3A_172 : vector<512xf32> to vector<512x1xf32>
    %eq3A_174 = vector.broadcast %broadcast_in_dim3A_173 : vector<512x1xf32> to vector<512x2048xf32>
    %eq3A_175 = arith.cmpf oeq, %select_n3A_170, %eq3A_174 : vector<512x2048xf32>
    %jit3A_176 = arith.constant 3.000000e+38 : f32
    %broadcast_in_dim3A_177 = vector.broadcast %jit3A_176 : f32 to vector<512x2048xf32>
    %select_n3A_178 = arith.select %eq3A_175, %broadcast_in_dim3A_177, %select_n3A_170 : vector<512x2048xi1>, vector<512x2048xf32>
    %reduce_min3A_179 = arith.constant dense<0x7F800000> : vector<512xf32>
    %reduce_min3A_180 = vector.multi_reduction <minimumf>, %select_n3A_178, %reduce_min3A_179 [1] : vector<512x2048xf32> to vector<512xf32>
    %broadcast_in_dim3A_181 = vector.shape_cast %reduce_min3A_180 : vector<512xf32> to vector<512x1xf32>
    %eq3A_182 = vector.broadcast %broadcast_in_dim3A_181 : vector<512x1xf32> to vector<512x2048xf32>
    %eq3A_183 = arith.cmpf oeq, %select_n3A_178, %eq3A_182 : vector<512x2048xf32>
    %jit3A_184 = arith.constant 3.000000e+38 : f32
    %broadcast_in_dim3A_185 = vector.broadcast %jit3A_184 : f32 to vector<512x2048xf32>
    %select_n3A_186 = arith.select %eq3A_183, %broadcast_in_dim3A_185, %select_n3A_178 : vector<512x2048xi1>, vector<512x2048xf32>
    %reduce_min3A_187 = arith.constant dense<0x7F800000> : vector<512xf32>
    %reduce_min3A_188 = vector.multi_reduction <minimumf>, %select_n3A_186, %reduce_min3A_187 [1] : vector<512x2048xf32> to vector<512xf32>
    %broadcast_in_dim3A_189 = vector.shape_cast %reduce_min3A_188 : vector<512xf32> to vector<512x1xf32>
    %eq3A_190 = vector.broadcast %broadcast_in_dim3A_189 : vector<512x1xf32> to vector<512x2048xf32>
    %eq3A_191 = arith.cmpf oeq, %select_n3A_186, %eq3A_190 : vector<512x2048xf32>
    %jit3A_192 = arith.constant 3.000000e+38 : f32
    %broadcast_in_dim3A_193 = vector.broadcast %jit3A_192 : f32 to vector<512x2048xf32>
    %select_n3A_194 = arith.select %eq3A_191, %broadcast_in_dim3A_193, %select_n3A_186 : vector<512x2048xi1>, vector<512x2048xf32>
    %reduce_min3A_195 = arith.constant dense<0x7F800000> : vector<512xf32>
    %reduce_min3A_196 = vector.multi_reduction <minimumf>, %select_n3A_194, %reduce_min3A_195 [1] : vector<512x2048xf32> to vector<512xf32>
    %broadcast_in_dim3A_197 = vector.shape_cast %reduce_min3A_196 : vector<512xf32> to vector<512x1xf32>
    %eq3A_198 = vector.broadcast %broadcast_in_dim3A_197 : vector<512x1xf32> to vector<512x2048xf32>
    %eq3A_199 = arith.cmpf oeq, %select_n3A_194, %eq3A_198 : vector<512x2048xf32>
    %jit3A_200 = arith.constant 3.000000e+38 : f32
    %broadcast_in_dim3A_201 = vector.broadcast %jit3A_200 : f32 to vector<512x2048xf32>
    %select_n3A_202 = arith.select %eq3A_199, %broadcast_in_dim3A_201, %select_n3A_194 : vector<512x2048xi1>, vector<512x2048xf32>
    %reduce_min3A_203 = arith.constant dense<0x7F800000> : vector<512xf32>
    %reduce_min3A_204 = vector.multi_reduction <minimumf>, %select_n3A_202, %reduce_min3A_203 [1] : vector<512x2048xf32> to vector<512xf32>
    %broadcast_in_dim3A_205 = vector.shape_cast %reduce_min3A_204 : vector<512xf32> to vector<512x1xf32>
    %eq3A_206 = vector.broadcast %broadcast_in_dim3A_205 : vector<512x1xf32> to vector<512x2048xf32>
    %eq3A_207 = arith.cmpf oeq, %select_n3A_202, %eq3A_206 : vector<512x2048xf32>
    %jit3A_208 = arith.constant 3.000000e+38 : f32
    %broadcast_in_dim3A_209 = vector.broadcast %jit3A_208 : f32 to vector<512x2048xf32>
    %select_n3A_210 = arith.select %eq3A_207, %broadcast_in_dim3A_209, %select_n3A_202 : vector<512x2048xi1>, vector<512x2048xf32>
    %reduce_min3A_211 = arith.constant dense<0x7F800000> : vector<512xf32>
    %reduce_min3A_212 = vector.multi_reduction <minimumf>, %select_n3A_210, %reduce_min3A_211 [1] : vector<512x2048xf32> to vector<512xf32>
    %broadcast_in_dim3A_213 = vector.shape_cast %reduce_min3A_212 : vector<512xf32> to vector<512x1xf32>
    %eq3A_214 = vector.broadcast %broadcast_in_dim3A_213 : vector<512x1xf32> to vector<512x2048xf32>
    %eq3A_215 = arith.cmpf oeq, %select_n3A_210, %eq3A_214 : vector<512x2048xf32>
    %jit3A_216 = arith.constant 3.000000e+38 : f32
    %broadcast_in_dim3A_217 = vector.broadcast %jit3A_216 : f32 to vector<512x2048xf32>
    %select_n3A_218 = arith.select %eq3A_215, %broadcast_in_dim3A_217, %select_n3A_210 : vector<512x2048xi1>, vector<512x2048xf32>
    %reduce_min3A_219 = arith.constant dense<0x7F800000> : vector<512xf32>
    %reduce_min3A_220 = vector.multi_reduction <minimumf>, %select_n3A_218, %reduce_min3A_219 [1] : vector<512x2048xf32> to vector<512xf32>
    %broadcast_in_dim3A_221 = vector.shape_cast %reduce_min3A_220 : vector<512xf32> to vector<512x1xf32>
    %eq3A_222 = vector.broadcast %broadcast_in_dim3A_221 : vector<512x1xf32> to vector<512x2048xf32>
    %eq3A_223 = arith.cmpf oeq, %select_n3A_218, %eq3A_222 : vector<512x2048xf32>
    %jit3A_224 = arith.constant 3.000000e+38 : f32
    %broadcast_in_dim3A_225 = vector.broadcast %jit3A_224 : f32 to vector<512x2048xf32>
    %select_n3A_226 = arith.select %eq3A_223, %broadcast_in_dim3A_225, %select_n3A_218 : vector<512x2048xi1>, vector<512x2048xf32>
    %reduce_min3A_227 = arith.constant dense<0x7F800000> : vector<512xf32>
    %reduce_min3A_228 = vector.multi_reduction <minimumf>, %select_n3A_226, %reduce_min3A_227 [1] : vector<512x2048xf32> to vector<512xf32>
    %broadcast_in_dim3A_229 = vector.shape_cast %reduce_min3A_228 : vector<512xf32> to vector<512x1xf32>
    %eq3A_230 = vector.broadcast %broadcast_in_dim3A_229 : vector<512x1xf32> to vector<512x2048xf32>
    %eq3A_231 = arith.cmpf oeq, %select_n3A_226, %eq3A_230 : vector<512x2048xf32>
    %jit3A_232 = arith.constant 3.000000e+38 : f32
    %broadcast_in_dim3A_233 = vector.broadcast %jit3A_232 : f32 to vector<512x2048xf32>
    %select_n3A_234 = arith.select %eq3A_231, %broadcast_in_dim3A_233, %select_n3A_226 : vector<512x2048xi1>, vector<512x2048xf32>
    %reduce_min3A_235 = arith.constant dense<0x7F800000> : vector<512xf32>
    %reduce_min3A_236 = vector.multi_reduction <minimumf>, %select_n3A_234, %reduce_min3A_235 [1] : vector<512x2048xf32> to vector<512xf32>
    %broadcast_in_dim3A_237 = vector.shape_cast %reduce_min3A_236 : vector<512xf32> to vector<512x1xf32>
    %eq3A_238 = vector.broadcast %broadcast_in_dim3A_237 : vector<512x1xf32> to vector<512x2048xf32>
    %eq3A_239 = arith.cmpf oeq, %select_n3A_234, %eq3A_238 : vector<512x2048xf32>
    %jit3A_240 = arith.constant 3.000000e+38 : f32
    %broadcast_in_dim3A_241 = vector.broadcast %jit3A_240 : f32 to vector<512x2048xf32>
    %select_n3A_242 = arith.select %eq3A_239, %broadcast_in_dim3A_241, %select_n3A_234 : vector<512x2048xi1>, vector<512x2048xf32>
    %reduce_min3A_243 = arith.constant dense<0x7F800000> : vector<512xf32>
    %reduce_min3A_244 = vector.multi_reduction <minimumf>, %select_n3A_242, %reduce_min3A_243 [1] : vector<512x2048xf32> to vector<512xf32>
    %broadcast_in_dim3A_245 = vector.shape_cast %reduce_min3A_244 : vector<512xf32> to vector<512x1xf32>
    %eq3A_246 = vector.broadcast %broadcast_in_dim3A_245 : vector<512x1xf32> to vector<512x2048xf32>
    %eq3A_247 = arith.cmpf oeq, %select_n3A_242, %eq3A_246 : vector<512x2048xf32>
    %jit3A_248 = arith.constant 3.000000e+38 : f32
    %broadcast_in_dim3A_249 = vector.broadcast %jit3A_248 : f32 to vector<512x2048xf32>
    %select_n3A_250 = arith.select %eq3A_247, %broadcast_in_dim3A_249, %select_n3A_242 : vector<512x2048xi1>, vector<512x2048xf32>
    %reduce_min3A_251 = arith.constant dense<0x7F800000> : vector<512xf32>
    %reduce_min3A_252 = vector.multi_reduction <minimumf>, %select_n3A_250, %reduce_min3A_251 [1] : vector<512x2048xf32> to vector<512xf32>
    %broadcast_in_dim3A_253 = vector.shape_cast %reduce_min3A_252 : vector<512xf32> to vector<512x1xf32>
    %eq3A_254 = vector.broadcast %broadcast_in_dim3A_253 : vector<512x1xf32> to vector<512x2048xf32>
    %eq3A_255 = arith.cmpf oeq, %select_n3A_250, %eq3A_254 : vector<512x2048xf32>
    %jit3A_256 = arith.constant 3.000000e+38 : f32
    %broadcast_in_dim3A_257 = vector.broadcast %jit3A_256 : f32 to vector<512x2048xf32>
    %select_n3A_258 = arith.select %eq3A_255, %broadcast_in_dim3A_257, %select_n3A_250 : vector<512x2048xi1>, vector<512x2048xf32>
    %reduce_min3A_259 = arith.constant dense<0x7F800000> : vector<512xf32>
    %reduce_min3A_260 = vector.multi_reduction <minimumf>, %select_n3A_258, %reduce_min3A_259 [1] : vector<512x2048xf32> to vector<512xf32>
    %broadcast_in_dim3A_261 = vector.shape_cast %reduce_min3A_260 : vector<512xf32> to vector<512x1xf32>
    %eq3A_262 = vector.broadcast %broadcast_in_dim3A_261 : vector<512x1xf32> to vector<512x2048xf32>
    %eq3A_263 = arith.cmpf oeq, %select_n3A_258, %eq3A_262 : vector<512x2048xf32>
    %jit3A_264 = arith.constant 3.000000e+38 : f32
    %broadcast_in_dim3A_265 = vector.broadcast %jit3A_264 : f32 to vector<512x2048xf32>
    %select_n3A_266 = arith.select %eq3A_263, %broadcast_in_dim3A_265, %select_n3A_258 : vector<512x2048xi1>, vector<512x2048xf32>
    %reduce_min3A_267 = arith.constant dense<0x7F800000> : vector<512xf32>
    %reduce_min3A_268 = vector.multi_reduction <minimumf>, %select_n3A_266, %reduce_min3A_267 [1] : vector<512x2048xf32> to vector<512xf32>
    %broadcast_in_dim3A_269 = vector.shape_cast %reduce_min3A_268 : vector<512xf32> to vector<512x1xf32>
    %concatenate3A = tpu.concatenate %broadcast_in_dim3A_24, %broadcast_in_dim3A_29, %broadcast_in_dim3A_37, %broadcast_in_dim3A_45, %broadcast_in_dim3A_53, %broadcast_in_dim3A_61, %broadcast_in_dim3A_69, %broadcast_in_dim3A_77, %broadcast_in_dim3A_85, %broadcast_in_dim3A_93, %broadcast_in_dim3A_101, %broadcast_in_dim3A_109, %broadcast_in_dim3A_117, %broadcast_in_dim3A_125, %broadcast_in_dim3A_133, %broadcast_in_dim3A_141, %broadcast_in_dim3A_149, %broadcast_in_dim3A_157, %broadcast_in_dim3A_165, %broadcast_in_dim3A_173, %broadcast_in_dim3A_181, %broadcast_in_dim3A_189, %broadcast_in_dim3A_197, %broadcast_in_dim3A_205, %broadcast_in_dim3A_213, %broadcast_in_dim3A_221, %broadcast_in_dim3A_229, %broadcast_in_dim3A_237, %broadcast_in_dim3A_245, %broadcast_in_dim3A_253, %broadcast_in_dim3A_261, %broadcast_in_dim3A_269 in 1 : vector<512x1xf32>, vector<512x1xf32>, vector<512x1xf32>, vector<512x1xf32>, vector<512x1xf32>, vector<512x1xf32>, vector<512x1xf32>, vector<512x1xf32>, vector<512x1xf32>, vector<512x1xf32>, vector<512x1xf32>, vector<512x1xf32>, vector<512x1xf32>, vector<512x1xf32>, vector<512x1xf32>, vector<512x1xf32>, vector<512x1xf32>, vector<512x1xf32>, vector<512x1xf32>, vector<512x1xf32>, vector<512x1xf32>, vector<512x1xf32>, vector<512x1xf32>, vector<512x1xf32>, vector<512x1xf32>, vector<512x1xf32>, vector<512x1xf32>, vector<512x1xf32>, vector<512x1xf32>, vector<512x1xf32>, vector<512x1xf32>, vector<512x1xf32> -> vector<512x32xf32>
    %bitcast_convert_type3A_270 = tpu.bitcast %concatenate3A : vector<512x32xf32> -> vector<512x32xi32>
    %and3A_271 = arith.constant 2047 : i32
    %and3A_272 = vector.broadcast %and3A_271 : i32 to vector<512x32xi32>
    %and3A_273 = arith.andi %bitcast_convert_type3A_270, %and3A_272 : vector<512x32xi32>
    %add3A_274 = arith.constant 2048 : i32
    %add3A_275 = vector.broadcast %add3A_274 : i32 to vector<512x32xi32>
    %add3A_276 = arith.addi %and3A_273, %add3A_275 : vector<512x32xi32>
    %transpose3A = tpu.transpose %add3A_276, [1, 0] : vector<512x32xi32> -> vector<32x512xi32>
    %swap3A = arith.constant 0 : index
    %swap3A_277 = arith.constant 0 : index
    %swap3A_278 = vector.load %arg4[%swap3A, %swap3A_277] : memref<32x512xi32, #tpu.memory_space<vmem>>, vector<32x512xi32>
    tpu.vector_store %arg4[%swap3A, %swap3A_277], %transpose3A {strides = array<i32>} : memref<32x512xi32, #tpu.memory_space<vmem>>, vector<32x512xi32>,
    return
  }
  func.func @transform_0(%arg0: i32, %arg1: i32) -> (i32, i32, i32) {
    %c0_i32 = arith.constant 0 : i32
    %c0_i32_0 = arith.constant 0 : i32
    return %arg0, %arg1, %c0_i32 : i32, i32, i32
  }
  func.func @transform_1(%arg0: i32, %arg1: i32) -> (i32, i32, i32) {
    %c0_i32 = arith.constant 0 : i32
    %c0_i32_0 = arith.constant 0 : i32
    %c0_i32_1 = arith.constant 0 : i32
    return %arg0, %c0_i32, %c0_i32_0 : i32, i32, i32
  }
  func.func @transform_2(%arg0: i32, %arg1: i32) -> (i32, i32) {
    %c0_i32 = arith.constant 0 : i32
    %c0_i32_0 = arith.constant 0 : i32
    return %c0_i32, %arg1 : i32, i32
  }
}

module attributes {stable_mosaic.version = 14 : i64} {
  func.func @_topk_body(%arg0: i32, %arg1: i32, %arg2: memref<1x512x16xf32, #tpu.memory_space<vmem>>, %arg3: memref<1x16x2048xf32, #tpu.memory_space<vmem>>, %arg4: memref<32x512xi32, #tpu.memory_space<vmem>>) attributes {dimension_semantics = [#tpu.dimension_semantics<arbitrary>, #tpu.dimension_semantics<arbitrary>], iteration_bounds = array<i64: 1, 4>, scalar_prefetch = 0 : i64, scratch_operands = 0 : i64, tpu.core_type = #tpu.core_type<tc>, window_params = [{transform_indices = @transform_0, window_bounds = array<i64: 1, 512, 16>}, {transform_indices = @transform_1, window_bounds = array<i64: 1, 16, 2048>}, {transform_indices = @transform_2, window_bounds = array<i64: 32, 512>}]} {
    %get3A = arith.constant 0 : index
    %get3A_0 = arith.constant 0 : index
    %get3A_1 = arith.constant 0 : index
    %get3A_2 = vector.load %arg2[%get3A, %get3A_0, %get3A_1] : memref<1x512x16xf32, #tpu.memory_space<vmem>>, vector<1x512x16xf32>
    %get3A_3 = vector.shape_cast %get3A_2 : vector<1x512x16xf32> to vector<512x16xf32>
    %get3A_4 = arith.constant 0 : index
    %get3A_5 = arith.constant 0 : index
    %get3A_6 = arith.constant 0 : index
    %get3A_7 = vector.load %arg3[%get3A_4, %get3A_5, %get3A_6] : memref<1x16x2048xf32, #tpu.memory_space<vmem>>, vector<1x16x2048xf32>
    %get3A_8 = vector.shape_cast %get3A_7 : vector<1x16x2048xf32> to vector<16x2048xf32>
    %dot_general3A = arith.constant dense<0.000000e+00> : vector<512x2048xf32>
    %dot_general3A_9 = tpu.matmul %get3A_3, %get3A_8, %dot_general3A {dimension_numbers = #tpu.dot_dimension_numbers<[1], [0], [0], [1], [0, 0, 1, 1], [], []>, transpose_lhs_hint = false} : vector<512x16xf32>, vector<16x2048xf32>, vector<512x2048xf32> -> vector<512x2048xf32>
    %mul3A = arith.mulf %get3A_3, %get3A_3 : vector<512x16xf32>
    %reduce_sum3A = arith.constant dense<0.000000e+00> : vector<512xf32>
    %reduce_sum3A_10 = vector.multi_reduction <add>, %mul3A, %reduce_sum3A [1] : vector<512x16xf32> to vector<512xf32>
    %broadcast_in_dim3A = vector.shape_cast %reduce_sum3A_10 : vector<512xf32> to vector<512x1xf32>
    %mul3A_11 = arith.constant 2.500000e-01 : f32
    %mul3A_12 = vector.broadcast %mul3A_11 : f32 to vector<512x1xf32>
    %mul3A_13 = arith.mulf %mul3A_12, %broadcast_in_dim3A : vector<512x1xf32>
    %add3A = arith.constant 7.500000e-01 : f32
    %add3A_14 = vector.broadcast %add3A : f32 to vector<512x1xf32>
    %add3A_15 = arith.addf %mul3A_13, %add3A_14 : vector<512x1xf32>
    %add3A_16 = vector.broadcast %add3A_15 : vector<512x1xf32> to vector<512x2048xf32>
    %add3A_17 = arith.addf %dot_general3A_9, %add3A_16 : vector<512x2048xf32>
    %max3A = arith.constant 1.000000e-30 : f32
    %max3A_18 = vector.broadcast %max3A : f32 to vector<512x2048xf32>
    %max3A_19 = arith.maximumf %add3A_17, %max3A_18 : vector<512x2048xf32>
    %bitcast_convert_type3A = tpu.bitcast %max3A_19 : vector<512x2048xf32> -> vector<512x2048xi32>
    %iota3A = tpu.iota {dimensions = array<i32: 1>} : vector<512x2048xi32>
    %and3A = arith.constant -2048 : i32
    %and3A_20 = vector.broadcast %and3A : i32 to vector<512x2048xi32>
    %and3A_21 = arith.andi %bitcast_convert_type3A, %and3A_20 : vector<512x2048xi32>
    %or3A = arith.ori %and3A_21, %iota3A : vector<512x2048xi32>
    %bitcast_convert_type3A_22 = tpu.bitcast %or3A : vector<512x2048xi32> -> vector<512x2048xf32>
    %reduce_min3A = arith.constant dense<0x7F800000> : vector<512xf32>
    %reduce_min3A_23 = vector.multi_reduction <minimumf>, %bitcast_convert_type3A_22, %reduce_min3A [1] : vector<512x2048xf32> to vector<512xf32>
    %broadcast_in_dim3A_24 = vector.shape_cast %reduce_min3A_23 : vector<512xf32> to vector<512x1xf32>
    %eq3A = vector.broadcast %broadcast_in_dim3A_24 : vector<512x1xf32> to vector<512x2048xf32>
    %eq3A_25 = arith.cmpf oeq, %bitcast_convert_type3A_22, %eq3A : vector<512x2048xf32>
    %jit3A = arith.constant 3.000000e+38 : f32
    %broadcast_in_dim3A_26 = vector.broadcast %jit3A : f32 to vector<512x2048xf32>
    %select_n3A = arith.select %eq3A_25, %broadcast_in_dim3A_26, %bitcast_convert_type3A_22 : vector<512x2048xi1>, vector<512x2048xf32>
    %reduce_min3A_27 = arith.constant dense<0x7F800000> : vector<512xf32>
    %reduce_min3A_28 = vector.multi_reduction <minimumf>, %select_n3A, %reduce_min3A_27 [1] : vector<512x2048xf32> to vector<512xf32>
    %broadcast_in_dim3A_29 = vector.shape_cast %reduce_min3A_28 : vector<512xf32> to vector<512x1xf32>
    %eq3A_30 = vector.broadcast %broadcast_in_dim3A_29 : vector<512x1xf32> to vector<512x2048xf32>
    %eq3A_31 = arith.cmpf oeq, %select_n3A, %eq3A_30 : vector<512x2048xf32>
    %jit3A_32 = arith.constant 3.000000e+38 : f32
    %broadcast_in_dim3A_33 = vector.broadcast %jit3A_32 : f32 to vector<512x2048xf32>
    %select_n3A_34 = arith.select %eq3A_31, %broadcast_in_dim3A_33, %select_n3A : vector<512x2048xi1>, vector<512x2048xf32>
    %reduce_min3A_35 = arith.constant dense<0x7F800000> : vector<512xf32>
    %reduce_min3A_36 = vector.multi_reduction <minimumf>, %select_n3A_34, %reduce_min3A_35 [1] : vector<512x2048xf32> to vector<512xf32>
    %broadcast_in_dim3A_37 = vector.shape_cast %reduce_min3A_36 : vector<512xf32> to vector<512x1xf32>
    %eq3A_38 = vector.broadcast %broadcast_in_dim3A_37 : vector<512x1xf32> to vector<512x2048xf32>
    %eq3A_39 = arith.cmpf oeq, %select_n3A_34, %eq3A_38 : vector<512x2048xf32>
    %jit3A_40 = arith.constant 3.000000e+38 : f32
    %broadcast_in_dim3A_41 = vector.broadcast %jit3A_40 : f32 to vector<512x2048xf32>
    %select_n3A_42 = arith.select %eq3A_39, %broadcast_in_dim3A_41, %select_n3A_34 : vector<512x2048xi1>, vector<512x2048xf32>
    %reduce_min3A_43 = arith.constant dense<0x7F800000> : vector<512xf32>
    %reduce_min3A_44 = vector.multi_reduction <minimumf>, %select_n3A_42, %reduce_min3A_43 [1] : vector<512x2048xf32> to vector<512xf32>
    %broadcast_in_dim3A_45 = vector.shape_cast %reduce_min3A_44 : vector<512xf32> to vector<512x1xf32>
    %eq3A_46 = vector.broadcast %broadcast_in_dim3A_45 : vector<512x1xf32> to vector<512x2048xf32>
    %eq3A_47 = arith.cmpf oeq, %select_n3A_42, %eq3A_46 : vector<512x2048xf32>
    %jit3A_48 = arith.constant 3.000000e+38 : f32
    %broadcast_in_dim3A_49 = vector.broadcast %jit3A_48 : f32 to vector<512x2048xf32>
    %select_n3A_50 = arith.select %eq3A_47, %broadcast_in_dim3A_49, %select_n3A_42 : vector<512x2048xi1>, vector<512x2048xf32>
    %reduce_min3A_51 = arith.constant dense<0x7F800000> : vector<512xf32>
    %reduce_min3A_52 = vector.multi_reduction <minimumf>, %select_n3A_50, %reduce_min3A_51 [1] : vector<512x2048xf32> to vector<512xf32>
    %broadcast_in_dim3A_53 = vector.shape_cast %reduce_min3A_52 : vector<512xf32> to vector<512x1xf32>
    %eq3A_54 = vector.broadcast %broadcast_in_dim3A_53 : vector<512x1xf32> to vector<512x2048xf32>
    %eq3A_55 = arith.cmpf oeq, %select_n3A_50, %eq3A_54 : vector<512x2048xf32>
    %jit3A_56 = arith.constant 3.000000e+38 : f32
    %broadcast_in_dim3A_57 = vector.broadcast %jit3A_56 : f32 to vector<512x2048xf32>
    %select_n3A_58 = arith.select %eq3A_55, %broadcast_in_dim3A_57, %select_n3A_50 : vector<512x2048xi1>, vector<512x2048xf32>
    %reduce_min3A_59 = arith.constant dense<0x7F800000> : vector<512xf32>
    %reduce_min3A_60 = vector.multi_reduction <minimumf>, %select_n3A_58, %reduce_min3A_59 [1] : vector<512x2048xf32> to vector<512xf32>
    %broadcast_in_dim3A_61 = vector.shape_cast %reduce_min3A_60 : vector<512xf32> to vector<512x1xf32>
    %eq3A_62 = vector.broadcast %broadcast_in_dim3A_61 : vector<512x1xf32> to vector<512x2048xf32>
    %eq3A_63 = arith.cmpf oeq, %select_n3A_58, %eq3A_62 : vector<512x2048xf32>
    %jit3A_64 = arith.constant 3.000000e+38 : f32
    %broadcast_in_dim3A_65 = vector.broadcast %jit3A_64 : f32 to vector<512x2048xf32>
    %select_n3A_66 = arith.select %eq3A_63, %broadcast_in_dim3A_65, %select_n3A_58 : vector<512x2048xi1>, vector<512x2048xf32>
    %reduce_min3A_67 = arith.constant dense<0x7F800000> : vector<512xf32>
    %reduce_min3A_68 = vector.multi_reduction <minimumf>, %select_n3A_66, %reduce_min3A_67 [1] : vector<512x2048xf32> to vector<512xf32>
    %broadcast_in_dim3A_69 = vector.shape_cast %reduce_min3A_68 : vector<512xf32> to vector<512x1xf32>
    %eq3A_70 = vector.broadcast %broadcast_in_dim3A_69 : vector<512x1xf32> to vector<512x2048xf32>
    %eq3A_71 = arith.cmpf oeq, %select_n3A_66, %eq3A_70 : vector<512x2048xf32>
    %jit3A_72 = arith.constant 3.000000e+38 : f32
    %broadcast_in_dim3A_73 = vector.broadcast %jit3A_72 : f32 to vector<512x2048xf32>
    %select_n3A_74 = arith.select %eq3A_71, %broadcast_in_dim3A_73, %select_n3A_66 : vector<512x2048xi1>, vector<512x2048xf32>
    %reduce_min3A_75 = arith.constant dense<0x7F800000> : vector<512xf32>
    %reduce_min3A_76 = vector.multi_reduction <minimumf>, %select_n3A_74, %reduce_min3A_75 [1] : vector<512x2048xf32> to vector<512xf32>
    %broadcast_in_dim3A_77 = vector.shape_cast %reduce_min3A_76 : vector<512xf32> to vector<512x1xf32>
    %eq3A_78 = vector.broadcast %broadcast_in_dim3A_77 : vector<512x1xf32> to vector<512x2048xf32>
    %eq3A_79 = arith.cmpf oeq, %select_n3A_74, %eq3A_78 : vector<512x2048xf32>
    %jit3A_80 = arith.constant 3.000000e+38 : f32
    %broadcast_in_dim3A_81 = vector.broadcast %jit3A_80 : f32 to vector<512x2048xf32>
    %select_n3A_82 = arith.select %eq3A_79, %broadcast_in_dim3A_81, %select_n3A_74 : vector<512x2048xi1>, vector<512x2048xf32>
    %reduce_min3A_83 = arith.constant dense<0x7F800000> : vector<512xf32>
    %reduce_min3A_84 = vector.multi_reduction <minimumf>, %select_n3A_82, %reduce_min3A_83 [1] : vector<512x2048xf32> to vector<512xf32>
    %broadcast_in_dim3A_85 = vector.shape_cast %reduce_min3A_84 : vector<512xf32> to vector<512x1xf32>
    %eq3A_86 = vector.broadcast %broadcast_in_dim3A_85 : vector<512x1xf32> to vector<512x2048xf32>
    %eq3A_87 = arith.cmpf oeq, %select_n3A_82, %eq3A_86 : vector<512x2048xf32>
    %jit3A_88 = arith.constant 3.000000e+38 : f32
    %broadcast_in_dim3A_89 = vector.broadcast %jit3A_88 : f32 to vector<512x2048xf32>
    %select_n3A_90 = arith.select %eq3A_87, %broadcast_in_dim3A_89, %select_n3A_82 : vector<512x2048xi1>, vector<512x2048xf32>
    %reduce_min3A_91 = arith.constant dense<0x7F800000> : vector<512xf32>
    %reduce_min3A_92 = vector.multi_reduction <minimumf>, %select_n3A_90, %reduce_min3A_91 [1] : vector<512x2048xf32> to vector<512xf32>
    %broadcast_in_dim3A_93 = vector.shape_cast %reduce_min3A_92 : vector<512xf32> to vector<512x1xf32>
    %eq3A_94 = vector.broadcast %broadcast_in_dim3A_93 : vector<512x1xf32> to vector<512x2048xf32>
    %eq3A_95 = arith.cmpf oeq, %select_n3A_90, %eq3A_94 : vector<512x2048xf32>
    %jit3A_96 = arith.constant 3.000000e+38 : f32
    %broadcast_in_dim3A_97 = vector.broadcast %jit3A_96 : f32 to vector<512x2048xf32>
    %select_n3A_98 = arith.select %eq3A_95, %broadcast_in_dim3A_97, %select_n3A_90 : vector<512x2048xi1>, vector<512x2048xf32>
    %reduce_min3A_99 = arith.constant dense<0x7F800000> : vector<512xf32>
    %reduce_min3A_100 = vector.multi_reduction <minimumf>, %select_n3A_98, %reduce_min3A_99 [1] : vector<512x2048xf32> to vector<512xf32>
    %broadcast_in_dim3A_101 = vector.shape_cast %reduce_min3A_100 : vector<512xf32> to vector<512x1xf32>
    %eq3A_102 = vector.broadcast %broadcast_in_dim3A_101 : vector<512x1xf32> to vector<512x2048xf32>
    %eq3A_103 = arith.cmpf oeq, %select_n3A_98, %eq3A_102 : vector<512x2048xf32>
    %jit3A_104 = arith.constant 3.000000e+38 : f32
    %broadcast_in_dim3A_105 = vector.broadcast %jit3A_104 : f32 to vector<512x2048xf32>
    %select_n3A_106 = arith.select %eq3A_103, %broadcast_in_dim3A_105, %select_n3A_98 : vector<512x2048xi1>, vector<512x2048xf32>
    %reduce_min3A_107 = arith.constant dense<0x7F800000> : vector<512xf32>
    %reduce_min3A_108 = vector.multi_reduction <minimumf>, %select_n3A_106, %reduce_min3A_107 [1] : vector<512x2048xf32> to vector<512xf32>
    %broadcast_in_dim3A_109 = vector.shape_cast %reduce_min3A_108 : vector<512xf32> to vector<512x1xf32>
    %eq3A_110 = vector.broadcast %broadcast_in_dim3A_109 : vector<512x1xf32> to vector<512x2048xf32>
    %eq3A_111 = arith.cmpf oeq, %select_n3A_106, %eq3A_110 : vector<512x2048xf32>
    %jit3A_112 = arith.constant 3.000000e+38 : f32
    %broadcast_in_dim3A_113 = vector.broadcast %jit3A_112 : f32 to vector<512x2048xf32>
    %select_n3A_114 = arith.select %eq3A_111, %broadcast_in_dim3A_113, %select_n3A_106 : vector<512x2048xi1>, vector<512x2048xf32>
    %reduce_min3A_115 = arith.constant dense<0x7F800000> : vector<512xf32>
    %reduce_min3A_116 = vector.multi_reduction <minimumf>, %select_n3A_114, %reduce_min3A_115 [1] : vector<512x2048xf32> to vector<512xf32>
    %broadcast_in_dim3A_117 = vector.shape_cast %reduce_min3A_116 : vector<512xf32> to vector<512x1xf32>
    %eq3A_118 = vector.broadcast %broadcast_in_dim3A_117 : vector<512x1xf32> to vector<512x2048xf32>
    %eq3A_119 = arith.cmpf oeq, %select_n3A_114, %eq3A_118 : vector<512x2048xf32>
    %jit3A_120 = arith.constant 3.000000e+38 : f32
    %broadcast_in_dim3A_121 = vector.broadcast %jit3A_120 : f32 to vector<512x2048xf32>
    %select_n3A_122 = arith.select %eq3A_119, %broadcast_in_dim3A_121, %select_n3A_114 : vector<512x2048xi1>, vector<512x2048xf32>
    %reduce_min3A_123 = arith.constant dense<0x7F800000> : vector<512xf32>
    %reduce_min3A_124 = vector.multi_reduction <minimumf>, %select_n3A_122, %reduce_min3A_123 [1] : vector<512x2048xf32> to vector<512xf32>
    %broadcast_in_dim3A_125 = vector.shape_cast %reduce_min3A_124 : vector<512xf32> to vector<512x1xf32>
    %eq3A_126 = vector.broadcast %broadcast_in_dim3A_125 : vector<512x1xf32> to vector<512x2048xf32>
    %eq3A_127 = arith.cmpf oeq, %select_n3A_122, %eq3A_126 : vector<512x2048xf32>
    %jit3A_128 = arith.constant 3.000000e+38 : f32
    %broadcast_in_dim3A_129 = vector.broadcast %jit3A_128 : f32 to vector<512x2048xf32>
    %select_n3A_130 = arith.select %eq3A_127, %broadcast_in_dim3A_129, %select_n3A_122 : vector<512x2048xi1>, vector<512x2048xf32>
    %reduce_min3A_131 = arith.constant dense<0x7F800000> : vector<512xf32>
    %reduce_min3A_132 = vector.multi_reduction <minimumf>, %select_n3A_130, %reduce_min3A_131 [1] : vector<512x2048xf32> to vector<512xf32>
    %broadcast_in_dim3A_133 = vector.shape_cast %reduce_min3A_132 : vector<512xf32> to vector<512x1xf32>
    %eq3A_134 = vector.broadcast %broadcast_in_dim3A_133 : vector<512x1xf32> to vector<512x2048xf32>
    %eq3A_135 = arith.cmpf oeq, %select_n3A_130, %eq3A_134 : vector<512x2048xf32>
    %jit3A_136 = arith.constant 3.000000e+38 : f32
    %broadcast_in_dim3A_137 = vector.broadcast %jit3A_136 : f32 to vector<512x2048xf32>
    %select_n3A_138 = arith.select %eq3A_135, %broadcast_in_dim3A_137, %select_n3A_130 : vector<512x2048xi1>, vector<512x2048xf32>
    %reduce_min3A_139 = arith.constant dense<0x7F800000> : vector<512xf32>
    %reduce_min3A_140 = vector.multi_reduction <minimumf>, %select_n3A_138, %reduce_min3A_139 [1] : vector<512x2048xf32> to vector<512xf32>
    %broadcast_in_dim3A_141 = vector.shape_cast %reduce_min3A_140 : vector<512xf32> to vector<512x1xf32>
    %eq3A_142 = vector.broadcast %broadcast_in_dim3A_141 : vector<512x1xf32> to vector<512x2048xf32>
    %eq3A_143 = arith.cmpf oeq, %select_n3A_138, %eq3A_142 : vector<512x2048xf32>
    %jit3A_144 = arith.constant 3.000000e+38 : f32
    %broadcast_in_dim3A_145 = vector.broadcast %jit3A_144 : f32 to vector<512x2048xf32>
    %select_n3A_146 = arith.select %eq3A_143, %broadcast_in_dim3A_145, %select_n3A_138 : vector<512x2048xi1>, vector<512x2048xf32>
    %reduce_min3A_147 = arith.constant dense<0x7F800000> : vector<512xf32>
    %reduce_min3A_148 = vector.multi_reduction <minimumf>, %select_n3A_146, %reduce_min3A_147 [1] : vector<512x2048xf32> to vector<512xf32>
    %broadcast_in_dim3A_149 = vector.shape_cast %reduce_min3A_148 : vector<512xf32> to vector<512x1xf32>
    %eq3A_150 = vector.broadcast %broadcast_in_dim3A_149 : vector<512x1xf32> to vector<512x2048xf32>
    %eq3A_151 = arith.cmpf oeq, %select_n3A_146, %eq3A_150 : vector<512x2048xf32>
    %jit3A_152 = arith.constant 3.000000e+38 : f32
    %broadcast_in_dim3A_153 = vector.broadcast %jit3A_152 : f32 to vector<512x2048xf32>
    %select_n3A_154 = arith.select %eq3A_151, %broadcast_in_dim3A_153, %select_n3A_146 : vector<512x2048xi1>, vector<512x2048xf32>
    %reduce_min3A_155 = arith.constant dense<0x7F800000> : vector<512xf32>
    %reduce_min3A_156 = vector.multi_reduction <minimumf>, %select_n3A_154, %reduce_min3A_155 [1] : vector<512x2048xf32> to vector<512xf32>
    %broadcast_in_dim3A_157 = vector.shape_cast %reduce_min3A_156 : vector<512xf32> to vector<512x1xf32>
    %eq3A_158 = vector.broadcast %broadcast_in_dim3A_157 : vector<512x1xf32> to vector<512x2048xf32>
    %eq3A_159 = arith.cmpf oeq, %select_n3A_154, %eq3A_158 : vector<512x2048xf32>
    %jit3A_160 = arith.constant 3.000000e+38 : f32
    %broadcast_in_dim3A_161 = vector.broadcast %jit3A_160 : f32 to vector<512x2048xf32>
    %select_n3A_162 = arith.select %eq3A_159, %broadcast_in_dim3A_161, %select_n3A_154 : vector<512x2048xi1>, vector<512x2048xf32>
    %reduce_min3A_163 = arith.constant dense<0x7F800000> : vector<512xf32>
    %reduce_min3A_164 = vector.multi_reduction <minimumf>, %select_n3A_162, %reduce_min3A_163 [1] : vector<512x2048xf32> to vector<512xf32>
    %broadcast_in_dim3A_165 = vector.shape_cast %reduce_min3A_164 : vector<512xf32> to vector<512x1xf32>
    %eq3A_166 = vector.broadcast %broadcast_in_dim3A_165 : vector<512x1xf32> to vector<512x2048xf32>
    %eq3A_167 = arith.cmpf oeq, %select_n3A_162, %eq3A_166 : vector<512x2048xf32>
    %jit3A_168 = arith.constant 3.000000e+38 : f32
    %broadcast_in_dim3A_169 = vector.broadcast %jit3A_168 : f32 to vector<512x2048xf32>
    %select_n3A_170 = arith.select %eq3A_167, %broadcast_in_dim3A_169, %select_n3A_162 : vector<512x2048xi1>, vector<512x2048xf32>
    %reduce_min3A_171 = arith.constant dense<0x7F800000> : vector<512xf32>
    %reduce_min3A_172 = vector.multi_reduction <minimumf>, %select_n3A_170, %reduce_min3A_171 [1] : vector<512x2048xf32> to vector<512xf32>
    %broadcast_in_dim3A_173 = vector.shape_cast %reduce_min3A_172 : vector<512xf32> to vector<512x1xf32>
    %eq3A_174 = vector.broadcast %broadcast_in_dim3A_173 : vector<512x1xf32> to vector<512x2048xf32>
    %eq3A_175 = arith.cmpf oeq, %select_n3A_170, %eq3A_174 : vector<512x2048xf32>
    %jit3A_176 = arith.constant 3.000000e+38 : f32
    %broadcast_in_dim3A_177 = vector.broadcast %jit3A_176 : f32 to vector<512x2048xf32>
    %select_n3A_178 = arith.select %eq3A_175, %broadcast_in_dim3A_177, %select_n3A_170 : vector<512x2048xi1>, vector<512x2048xf32>
    %reduce_min3A_179 = arith.constant dense<0x7F800000> : vector<512xf32>
    %reduce_min3A_180 = vector.multi_reduction <minimumf>, %select_n3A_178, %reduce_min3A_179 [1] : vector<512x2048xf32> to vector<512xf32>
    %broadcast_in_dim3A_181 = vector.shape_cast %reduce_min3A_180 : vector<512xf32> to vector<512x1xf32>
    %eq3A_182 = vector.broadcast %broadcast_in_dim3A_181 : vector<512x1xf32> to vector<512x2048xf32>
    %eq3A_183 = arith.cmpf oeq, %select_n3A_178, %eq3A_182 : vector<512x2048xf32>
    %jit3A_184 = arith.constant 3.000000e+38 : f32
    %broadcast_in_dim3A_185 = vector.broadcast %jit3A_184 : f32 to vector<512x2048xf32>
    %select_n3A_186 = arith.select %eq3A_183, %broadcast_in_dim3A_185, %select_n3A_178 : vector<512x2048xi1>, vector<512x2048xf32>
    %reduce_min3A_187 = arith.constant dense<0x7F800000> : vector<512xf32>
    %reduce_min3A_188 = vector.multi_reduction <minimumf>, %select_n3A_186, %reduce_min3A_187 [1] : vector<512x2048xf32> to vector<512xf32>
    %broadcast_in_dim3A_189 = vector.shape_cast %reduce_min3A_188 : vector<512xf32> to vector<512x1xf32>
    %eq3A_190 = vector.broadcast %broadcast_in_dim3A_189 : vector<512x1xf32> to vector<512x2048xf32>
    %eq3A_191 = arith.cmpf oeq, %select_n3A_186, %eq3A_190 : vector<512x2048xf32>
    %jit3A_192 = arith.constant 3.000000e+38 : f32
    %broadcast_in_dim3A_193 = vector.broadcast %jit3A_192 : f32 to vector<512x2048xf32>
    %select_n3A_194 = arith.select %eq3A_191, %broadcast_in_dim3A_193, %select_n3A_186 : vector<512x2048xi1>, vector<512x2048xf32>
    %reduce_min3A_195 = arith.constant dense<0x7F800000> : vector<512xf32>
    %reduce_min3A_196 = vector.multi_reduction <minimumf>, %select_n3A_194, %reduce_min3A_195 [1] : vector<512x2048xf32> to vector<512xf32>
    %broadcast_in_dim3A_197 = vector.shape_cast %reduce_min3A_196 : vector<512xf32> to vector<512x1xf32>
    %eq3A_198 = vector.broadcast %broadcast_in_dim3A_197 : vector<512x1xf32> to vector<512x2048xf32>
    %eq3A_199 = arith.cmpf oeq, %select_n3A_194, %eq3A_198 : vector<512x2048xf32>
    %jit3A_200 = arith.constant 3.000000e+38 : f32
    %broadcast_in_dim3A_201 = vector.broadcast %jit3A_200 : f32 to vector<512x2048xf32>
    %select_n3A_202 = arith.select %eq3A_199, %broadcast_in_dim3A_201, %select_n3A_194 : vector<512x2048xi1>, vector<512x2048xf32>
    %reduce_min3A_203 = arith.constant dense<0x7F800000> : vector<512xf32>
    %reduce_min3A_204 = vector.multi_reduction <minimumf>, %select_n3A_202, %reduce_min3A_203 [1] : vector<512x2048xf32> to vector<512xf32>
    %broadcast_in_dim3A_205 = vector.shape_cast %reduce_min3A_204 : vector<512xf32> to vector<512x1xf32>
    %eq3A_206 = vector.broadcast %broadcast_in_dim3A_205 : vector<512x1xf32> to vector<512x2048xf32>
    %eq3A_207 = arith.cmpf oeq, %select_n3A_202, %eq3A_206 : vector<512x2048xf32>
    %jit3A_208 = arith.constant 3.000000e+38 : f32
    %broadcast_in_dim3A_209 = vector.broadcast %jit3A_208 : f32 to vector<512x2048xf32>
    %select_n3A_210 = arith.select %eq3A_207, %broadcast_in_dim3A_209, %select_n3A_202 : vector<512x2048xi1>, vector<512x2048xf32>
    %reduce_min3A_211 = arith.constant dense<0x7F800000> : vector<512xf32>
    %reduce_min3A_212 = vector.multi_reduction <minimumf>, %select_n3A_210, %reduce_min3A_211 [1] : vector<512x2048xf32> to vector<512xf32>
    %broadcast_in_dim3A_213 = vector.shape_cast %reduce_min3A_212 : vector<512xf32> to vector<512x1xf32>
    %eq3A_214 = vector.broadcast %broadcast_in_dim3A_213 : vector<512x1xf32> to vector<512x2048xf32>
    %eq3A_215 = arith.cmpf oeq, %select_n3A_210, %eq3A_214 : vector<512x2048xf32>
    %jit3A_216 = arith.constant 3.000000e+38 : f32
    %broadcast_in_dim3A_217 = vector.broadcast %jit3A_216 : f32 to vector<512x2048xf32>
    %select_n3A_218 = arith.select %eq3A_215, %broadcast_in_dim3A_217, %select_n3A_210 : vector<512x2048xi1>, vector<512x2048xf32>
    %reduce_min3A_219 = arith.constant dense<0x7F800000> : vector<512xf32>
    %reduce_min3A_220 = vector.multi_reduction <minimumf>, %select_n3A_218, %reduce_min3A_219 [1] : vector<512x2048xf32> to vector<512xf32>
    %broadcast_in_dim3A_221 = vector.shape_cast %reduce_min3A_220 : vector<512xf32> to vector<512x1xf32>
    %eq3A_222 = vector.broadcast %broadcast_in_dim3A_221 : vector<512x1xf32> to vector<512x2048xf32>
    %eq3A_223 = arith.cmpf oeq, %select_n3A_218, %eq3A_222 : vector<512x2048xf32>
    %jit3A_224 = arith.constant 3.000000e+38 : f32
    %broadcast_in_dim3A_225 = vector.broadcast %jit3A_224 : f32 to vector<512x2048xf32>
    %select_n3A_226 = arith.select %eq3A_223, %broadcast_in_dim3A_225, %select_n3A_218 : vector<512x2048xi1>, vector<512x2048xf32>
    %reduce_min3A_227 = arith.constant dense<0x7F800000> : vector<512xf32>
    %reduce_min3A_228 = vector.multi_reduction <minimumf>, %select_n3A_226, %reduce_min3A_227 [1] : vector<512x2048xf32> to vector<512xf32>
    %broadcast_in_dim3A_229 = vector.shape_cast %reduce_min3A_228 : vector<512xf32> to vector<512x1xf32>
    %eq3A_230 = vector.broadcast %broadcast_in_dim3A_229 : vector<512x1xf32> to vector<512x2048xf32>
    %eq3A_231 = arith.cmpf oeq, %select_n3A_226, %eq3A_230 : vector<512x2048xf32>
    %jit3A_232 = arith.constant 3.000000e+38 : f32
    %broadcast_in_dim3A_233 = vector.broadcast %jit3A_232 : f32 to vector<512x2048xf32>
    %select_n3A_234 = arith.select %eq3A_231, %broadcast_in_dim3A_233, %select_n3A_226 : vector<512x2048xi1>, vector<512x2048xf32>
    %reduce_min3A_235 = arith.constant dense<0x7F800000> : vector<512xf32>
    %reduce_min3A_236 = vector.multi_reduction <minimumf>, %select_n3A_234, %reduce_min3A_235 [1] : vector<512x2048xf32> to vector<512xf32>
    %broadcast_in_dim3A_237 = vector.shape_cast %reduce_min3A_236 : vector<512xf32> to vector<512x1xf32>
    %eq3A_238 = vector.broadcast %broadcast_in_dim3A_237 : vector<512x1xf32> to vector<512x2048xf32>
    %eq3A_239 = arith.cmpf oeq, %select_n3A_234, %eq3A_238 : vector<512x2048xf32>
    %jit3A_240 = arith.constant 3.000000e+38 : f32
    %broadcast_in_dim3A_241 = vector.broadcast %jit3A_240 : f32 to vector<512x2048xf32>
    %select_n3A_242 = arith.select %eq3A_239, %broadcast_in_dim3A_241, %select_n3A_234 : vector<512x2048xi1>, vector<512x2048xf32>
    %reduce_min3A_243 = arith.constant dense<0x7F800000> : vector<512xf32>
    %reduce_min3A_244 = vector.multi_reduction <minimumf>, %select_n3A_242, %reduce_min3A_243 [1] : vector<512x2048xf32> to vector<512xf32>
    %broadcast_in_dim3A_245 = vector.shape_cast %reduce_min3A_244 : vector<512xf32> to vector<512x1xf32>
    %eq3A_246 = vector.broadcast %broadcast_in_dim3A_245 : vector<512x1xf32> to vector<512x2048xf32>
    %eq3A_247 = arith.cmpf oeq, %select_n3A_242, %eq3A_246 : vector<512x2048xf32>
    %jit3A_248 = arith.constant 3.000000e+38 : f32
    %broadcast_in_dim3A_249 = vector.broadcast %jit3A_248 : f32 to vector<512x2048xf32>
    %select_n3A_250 = arith.select %eq3A_247, %broadcast_in_dim3A_249, %select_n3A_242 : vector<512x2048xi1>, vector<512x2048xf32>
    %reduce_min3A_251 = arith.constant dense<0x7F800000> : vector<512xf32>
    %reduce_min3A_252 = vector.multi_reduction <minimumf>, %select_n3A_250, %reduce_min3A_251 [1] : vector<512x2048xf32> to vector<512xf32>
    %broadcast_in_dim3A_253 = vector.shape_cast %reduce_min3A_252 : vector<512xf32> to vector<512x1xf32>
    %eq3A_254 = vector.broadcast %broadcast_in_dim3A_253 : vector<512x1xf32> to vector<512x2048xf32>
    %eq3A_255 = arith.cmpf oeq, %select_n3A_250, %eq3A_254 : vector<512x2048xf32>
    %jit3A_256 = arith.constant 3.000000e+38 : f32
    %broadcast_in_dim3A_257 = vector.broadcast %jit3A_256 : f32 to vector<512x2048xf32>
    %select_n3A_258 = arith.select %eq3A_255, %broadcast_in_dim3A_257, %select_n3A_250 : vector<512x2048xi1>, vector<512x2048xf32>
    %reduce_min3A_259 = arith.constant dense<0x7F800000> : vector<512xf32>
    %reduce_min3A_260 = vector.multi_reduction <minimumf>, %select_n3A_258, %reduce_min3A_259 [1] : vector<512x2048xf32> to vector<512xf32>
    %broadcast_in_dim3A_261 = vector.shape_cast %reduce_min3A_260 : vector<512xf32> to vector<512x1xf32>
    %eq3A_262 = vector.broadcast %broadcast_in_dim3A_261 : vector<512x1xf32> to vector<512x2048xf32>
    %eq3A_263 = arith.cmpf oeq, %select_n3A_258, %eq3A_262 : vector<512x2048xf32>
    %jit3A_264 = arith.constant 3.000000e+38 : f32
    %broadcast_in_dim3A_265 = vector.broadcast %jit3A_264 : f32 to vector<512x2048xf32>
    %select_n3A_266 = arith.select %eq3A_263, %broadcast_in_dim3A_265, %select_n3A_258 : vector<512x2048xi1>, vector<512x2048xf32>
    %reduce_min3A_267 = arith.constant dense<0x7F800000> : vector<512xf32>
    %reduce_min3A_268 = vector.multi_reduction <minimumf>, %select_n3A_266, %reduce_min3A_267 [1] : vector<512x2048xf32> to vector<512xf32>
    %broadcast_in_dim3A_269 = vector.shape_cast %reduce_min3A_268 : vector<512xf32> to vector<512x1xf32>
    %concatenate3A = tpu.concatenate %broadcast_in_dim3A_24, %broadcast_in_dim3A_29, %broadcast_in_dim3A_37, %broadcast_in_dim3A_45, %broadcast_in_dim3A_53, %broadcast_in_dim3A_61, %broadcast_in_dim3A_69, %broadcast_in_dim3A_77, %broadcast_in_dim3A_85, %broadcast_in_dim3A_93, %broadcast_in_dim3A_101, %broadcast_in_dim3A_109, %broadcast_in_dim3A_117, %broadcast_in_dim3A_125, %broadcast_in_dim3A_133, %broadcast_in_dim3A_141, %broadcast_in_dim3A_149, %broadcast_in_dim3A_157, %broadcast_in_dim3A_165, %broadcast_in_dim3A_173, %broadcast_in_dim3A_181, %broadcast_in_dim3A_189, %broadcast_in_dim3A_197, %broadcast_in_dim3A_205, %broadcast_in_dim3A_213, %broadcast_in_dim3A_221, %broadcast_in_dim3A_229, %broadcast_in_dim3A_237, %broadcast_in_dim3A_245, %broadcast_in_dim3A_253, %broadcast_in_dim3A_261, %broadcast_in_dim3A_269 in 1 : vector<512x1xf32>, vector<512x1xf32>, vector<512x1xf32>, vector<512x1xf32>, vector<512x1xf32>, vector<512x1xf32>, vector<512x1xf32>, vector<512x1xf32>, vector<512x1xf32>, vector<512x1xf32>, vector<512x1xf32>, vector<512x1xf32>, vector<512x1xf32>, vector<512x1xf32>, vector<512x1xf32>, vector<512x1xf32>, vector<512x1xf32>, vector<512x1xf32>, vector<512x1xf32>, vector<512x1xf32>, vector<512x1xf32>, vector<512x1xf32>, vector<512x1xf32>, vector<512x1xf32>, vector<512x1xf32>, vector<512x1xf32>, vector<512x1xf32>, vector<512x1xf32>, vector<512x1xf32>, vector<512x1xf32>, vector<512x1xf32>, vector<512x1xf32> -> vector<512x32xf32>
    %bitcast_convert_type3A_270 = tpu.bitcast %concatenate3A : vector<512x32xf32> -> vector<512x32xi32>
    %and3A_271 = arith.constant 2047 : i32
    %and3A_272 = vector.broadcast %and3A_271 : i32 to vector<512x32xi32>
    %and3A_273 = arith.andi %bitcast_convert_type3A_270, %and3A_272 : vector<512x32xi32>
    %add3A_274 = arith.constant 0 : i32
    %add3A_275 = vector.broadcast %add3A_274 : i32 to vector<512x32xi32>
    %add3A_276 = arith.addi %and3A_273, %add3A_275 : vector<512x32xi32>
    %transpose3A = tpu.transpose %add3A_276, [1, 0] : vector<512x32xi32> -> vector<32x512xi32>
    %swap3A = arith.constant 0 : index
    %swap3A_277 = arith.constant 0 : index
    %swap3A_278 = vector.load %arg4[%swap3A, %swap3A_277] : memref<32x512xi32, #tpu.memory_space<vmem>>, vector<32x512xi32>
    tpu.vector_store %arg4[%swap3A, %swap3A_277], %transpose3A {strides = array<i32>} : memref<32x512xi32, #tpu.memory_space<vmem>>, vector<32x512xi32>,
    return
  }
  func.func @transform_0(%arg0: i32, %arg1: i32) -> (i32, i32, i32) {
    %c0_i32 = arith.constant 0 : i32
    %c0_i32_0 = arith.constant 0 : i32
    return %arg0, %arg1, %c0_i32 : i32, i32, i32
  }
  func.func @transform_1(%arg0: i32, %arg1: i32) -> (i32, i32, i32) {
    %c0_i32 = arith.constant 0 : i32
    %c0_i32_0 = arith.constant 0 : i32
    %c0_i32_1 = arith.constant 0 : i32
    return %arg0, %c0_i32, %c0_i32_0 : i32, i32, i32
  }
  func.func @transform_2(%arg0: i32, %arg1: i32) -> (i32, i32) {
    %c0_i32 = arith.constant 0 : i32
    %c0_i32_0 = arith.constant 0 : i32
    return %c0_i32, %arg1 : i32, i32
  }
}

module attributes {stable_mosaic.version = 14 : i64} {
  func.func @_mlp_body(%arg0: i32, %arg1: i32, %arg2: memref<1x256x64xf32, #tpu.memory_space<vmem>>, %arg3: memref<1x256x16xf32, #tpu.memory_space<vmem>>, %arg4: memref<32x1x256x128xf32, #tpu.memory_space<vmem>>, %arg5: memref<64x258xf32, #tpu.memory_space<vmem>>, %arg6: memref<64x258xf32, #tpu.memory_space<vmem>>, %arg7: memref<1x258xf32, #tpu.memory_space<vmem>>, %arg8: memref<258xf32, #tpu.memory_space<vmem>>, %arg9: memref<258x16xf32, #tpu.memory_space<vmem>>, %arg10: memref<16xf32, #tpu.memory_space<vmem>>, %arg11: memref<16x64xf32, #tpu.memory_space<vmem>>, %arg12: memref<64xf32, #tpu.memory_space<vmem>>, %arg13: memref<64x1xf32, #tpu.memory_space<vmem>>, %arg14: memref<1xf32, #tpu.memory_space<vmem>>, %arg15: memref<80x128xf32, #tpu.memory_space<vmem>>, %arg16: memref<128xf32, #tpu.memory_space<vmem>>, %arg17: memref<128x64xf32, #tpu.memory_space<vmem>>, %arg18: memref<64xf32, #tpu.memory_space<vmem>>, %arg19: memref<1x256x64xf32, #tpu.memory_space<vmem>>, %arg20: memref<1x256x3xf32, #tpu.memory_space<vmem>>) attributes {dimension_semantics = [#tpu.dimension_semantics<arbitrary>, #tpu.dimension_semantics<arbitrary>], iteration_bounds = array<i64: 1, 8>, scalar_prefetch = 0 : i64, scratch_operands = 0 : i64, tpu.core_type = #tpu.core_type<tc>, window_params = [{transform_indices = @transform_0, window_bounds = array<i64: 1, 256, 64>}, {transform_indices = @transform_1, window_bounds = array<i64: 1, 256, 16>}, {transform_indices = @transform_2, window_bounds = array<i64: 32, 1, 256, 128>}, {pipeline_mode = #tpu.pipeline_mode<synchronous>, transform_indices = @transform_3, window_bounds = array<i64: 64, 258>}, {pipeline_mode = #tpu.pipeline_mode<synchronous>, transform_indices = @transform_4, window_bounds = array<i64: 64, 258>}, {pipeline_mode = #tpu.pipeline_mode<synchronous>, transform_indices = @transform_5, window_bounds = array<i64: 1, 258>}, {pipeline_mode = #tpu.pipeline_mode<synchronous>, transform_indices = @transform_6, window_bounds = array<i64: 258>}, {pipeline_mode = #tpu.pipeline_mode<synchronous>, transform_indices = @transform_7, window_bounds = array<i64: 258, 16>}, {pipeline_mode = #tpu.pipeline_mode<synchronous>, transform_indices = @transform_8, window_bounds = array<i64: 16>}, {pipeline_mode = #tpu.pipeline_mode<synchronous>, transform_indices = @transform_9, window_bounds = array<i64: 16, 64>}, {pipeline_mode = #tpu.pipeline_mode<synchronous>, transform_indices = @transform_10, window_bounds = array<i64: 64>}, {pipeline_mode = #tpu.pipeline_mode<synchronous>, transform_indices = @transform_11, window_bounds = array<i64: 64, 1>}, {pipeline_mode = #tpu.pipeline_mode<synchronous>, transform_indices = @transform_12, window_bounds = array<i64: 1>}, {pipeline_mode = #tpu.pipeline_mode<synchronous>, transform_indices = @transform_13, window_bounds = array<i64: 80, 128>}, {pipeline_mode = #tpu.pipeline_mode<synchronous>, transform_indices = @transform_14, window_bounds = array<i64: 128>}, {pipeline_mode = #tpu.pipeline_mode<synchronous>, transform_indices = @transform_15, window_bounds = array<i64: 128, 64>}, {pipeline_mode = #tpu.pipeline_mode<synchronous>, transform_indices = @transform_16, window_bounds = array<i64: 64>}, {transform_indices = @transform_17, window_bounds = array<i64: 1, 256, 64>}, {transform_indices = @transform_18, window_bounds = array<i64: 1, 256, 3>}]} {
    %get3A = arith.constant 0 : index
    %get3A_0 = arith.constant 0 : index
    %get3A_1 = arith.constant 0 : index
    %get3A_2 = vector.load %arg2[%get3A, %get3A_0, %get3A_1] : memref<1x256x64xf32, #tpu.memory_space<vmem>>, vector<1x256x64xf32>
    %get3A_3 = vector.shape_cast %get3A_2 : vector<1x256x64xf32> to vector<256x64xf32>
    %get3A_4 = arith.constant 0 : index
    %get3A_5 = arith.constant 0 : index
    %get3A_6 = arith.constant 0 : index
    %get3A_7 = vector.load %arg3[%get3A_4, %get3A_5, %get3A_6] : memref<1x256x16xf32, #tpu.memory_space<vmem>>, vector<1x256x16xf32>
    %get3A_8 = vector.shape_cast %get3A_7 : vector<1x256x16xf32> to vector<256x16xf32>
    %get3A_9 = arith.constant 0 : index
    %get3A_10 = arith.constant 0 : index
    %get3A_11 = arith.constant 0 : index
    %get3A_12 = arith.constant 0 : index
    %get3A_13 = vector.load %arg4[%get3A_9, %get3A_10, %get3A_11, %get3A_12] : memref<32x1x256x128xf32, #tpu.memory_space<vmem>>, vector<32x1x256x128xf32>
    %get3A_14 = vector.shape_cast %get3A_13 : vector<32x1x256x128xf32> to vector<32x256x128xf32>
    %reshape3A = vector.shape_cast %get3A_14 : vector<32x256x128xf32> to vector<8192x128xf32>
    %slice3A = vector.extract_strided_slice %reshape3A {offsets = [0, 0], sizes = [8192, 64], strides = [1, 1]} : vector<8192x128xf32> to vector<8192x64xf32>
    %slice3A_15 = vector.extract_strided_slice %get3A_14 {offsets = [0, 0, 64], sizes = [32, 256, 16], strides = [1, 1, 1]} : vector<32x256x128xf32> to vector<32x256x16xf32>
    %get3A_16 = arith.constant 0 : index
    %get3A_17 = arith.constant 0 : index
    %get3A_18 = vector.load %arg5[%get3A_16, %get3A_17] : memref<64x258xf32, #tpu.memory_space<vmem>>, vector<64x258xf32>
    %dot_general3A = arith.constant dense<0.000000e+00> : vector<256x258xf32>
    %dot_general3A_19 = tpu.matmul %get3A_3, %get3A_18, %dot_general3A {dimension_numbers = #tpu.dot_dimension_numbers<[1], [0], [0], [1], [0, 0, 1, 1], [], []>, transpose_lhs_hint = false} : vector<256x64xf32>, vector<64x258xf32>, vector<256x258xf32> -> vector<256x258xf32>
    %get3A_20 = arith.constant 0 : index
    %get3A_21 = vector.load %arg8[%get3A_20] : memref<258xf32, #tpu.memory_space<vmem>>, vector<258xf32>
    %broadcast_in_dim3A = vector.shape_cast %get3A_21 : vector<258xf32> to vector<1x258xf32>
    %add3A = vector.broadcast %broadcast_in_dim3A : vector<1x258xf32> to vector<256x258xf32>
    %add3A_22 = arith.addf %dot_general3A_19, %add3A : vector<256x258xf32>
    %broadcast_in_dim3A_23 = vector.shape_cast %get3A_8 : vector<256x16xf32> to vector<1x256x16xf32>
    %sub3A = vector.broadcast %broadcast_in_dim3A_23 : vector<1x256x16xf32> to vector<32x256x16xf32>
    %sub3A_24 = arith.subf %sub3A, %slice3A_15 : vector<32x256x16xf32>
    %mul3A = arith.mulf %sub3A_24, %sub3A_24 : vector<32x256x16xf32>
    %reduce_sum3A = arith.constant dense<0.000000e+00> : vector<32x256xf32>
    %reduce_sum3A_25 = vector.multi_reduction <add>, %mul3A, %reduce_sum3A [2] : vector<32x256x16xf32> to vector<32x256xf32>
    %broadcast_in_dim3A_26 = vector.shape_cast %reduce_sum3A_25 : vector<32x256xf32> to vector<32x256x1xf32>
    %get3A_27 = arith.constant 0 : index
    %get3A_28 = arith.constant 0 : index
    %get3A_29 = vector.load %arg6[%get3A_27, %get3A_28] : memref<64x258xf32, #tpu.memory_space<vmem>>, vector<64x258xf32>
    %dot_general3A_30 = arith.constant dense<0.000000e+00> : vector<8192x258xf32>
    %dot_general3A_31 = tpu.matmul %slice3A, %get3A_29, %dot_general3A_30 {dimension_numbers = #tpu.dot_dimension_numbers<[1], [0], [0], [1], [0, 0, 1, 1], [], []>, transpose_lhs_hint = false} : vector<8192x64xf32>, vector<64x258xf32>, vector<8192x258xf32> -> vector<8192x258xf32>
    %reshape3A_32 = vector.shape_cast %dot_general3A_31 : vector<8192x258xf32> to vector<32x256x258xf32>
    %broadcast_in_dim3A_33 = vector.shape_cast %add3A_22 : vector<256x258xf32> to vector<1x256x258xf32>
    %add3A_34 = vector.broadcast %broadcast_in_dim3A_33 : vector<1x256x258xf32> to vector<32x256x258xf32>
    %add3A_35 = arith.addf %reshape3A_32, %add3A_34 : vector<32x256x258xf32>
    %get3A_36 = arith.constant 0 : index
    %get3A_37 = arith.constant 0 : index
    %get3A_38 = vector.load %arg7[%get3A_36, %get3A_37] : memref<1x258xf32, #tpu.memory_space<vmem>>, vector<1x258xf32>
    %broadcast_in_dim3A_39 = vector.shape_cast %get3A_38 : vector<1x258xf32> to vector<1x1x258xf32>
    %mul3A_40 = vector.broadcast %broadcast_in_dim3A_26 : vector<32x256x1xf32> to vector<32x256x258xf32>
    %mul3A_41 = vector.broadcast %broadcast_in_dim3A_39 : vector<1x1x258xf32> to vector<32x256x258xf32>
    %mul3A_42 = arith.mulf %mul3A_40, %mul3A_41 : vector<32x256x258xf32>
    %add3A_43 = arith.addf %add3A_35, %mul3A_42 : vector<32x256x258xf32>
    %mul3A_44 = arith.constant 5.000000e-01 : f32
    %mul3A_45 = vector.broadcast %mul3A_44 : f32 to vector<32x256x258xf32>
    %mul3A_46 = arith.mulf %mul3A_45, %add3A_43 : vector<32x256x258xf32>
    %tanh3A = math.tanh %mul3A_46 : vector<32x256x258xf32>
    %mul3A_47 = arith.constant 5.000000e-01 : f32
    %mul3A_48 = vector.broadcast %mul3A_47 : f32 to vector<32x256x258xf32>
    %mul3A_49 = arith.mulf %mul3A_48, %tanh3A : vector<32x256x258xf32>
    %add3A_50 = arith.constant 5.000000e-01 : f32
    %add3A_51 = vector.broadcast %add3A_50 : f32 to vector<32x256x258xf32>
    %add3A_52 = arith.addf %mul3A_49, %add3A_51 : vector<32x256x258xf32>
    %mul3A_53 = arith.mulf %add3A_43, %add3A_52 : vector<32x256x258xf32>
    %reshape3A_54 = vector.shape_cast %mul3A_53 : vector<32x256x258xf32> to vector<8192x258xf32>
    %get3A_55 = arith.constant 0 : index
    %get3A_56 = arith.constant 0 : index
    %get3A_57 = vector.load %arg9[%get3A_55, %get3A_56] : memref<258x16xf32, #tpu.memory_space<vmem>>, vector<258x16xf32>
    %dot_general3A_58 = arith.constant dense<0.000000e+00> : vector<8192x16xf32>
    %dot_general3A_59 = tpu.matmul %reshape3A_54, %get3A_57, %dot_general3A_58 {dimension_numbers = #tpu.dot_dimension_numbers<[1], [0], [0], [1], [0, 0, 1, 1], [], []>, transpose_lhs_hint = false} : vector<8192x258xf32>, vector<258x16xf32>, vector<8192x16xf32> -> vector<8192x16xf32>
    %get3A_60 = arith.constant 0 : index
    %get3A_61 = vector.load %arg10[%get3A_60] : memref<16xf32, #tpu.memory_space<vmem>>, vector<16xf32>
    %broadcast_in_dim3A_62 = vector.shape_cast %get3A_61 : vector<16xf32> to vector<1x16xf32>
    %add3A_63 = vector.broadcast %broadcast_in_dim3A_62 : vector<1x16xf32> to vector<8192x16xf32>
    %add3A_64 = arith.addf %dot_general3A_59, %add3A_63 : vector<8192x16xf32>
    %mul3A_65 = arith.constant 5.000000e-01 : f32
    %mul3A_66 = vector.broadcast %mul3A_65 : f32 to vector<8192x16xf32>
    %mul3A_67 = arith.mulf %mul3A_66, %add3A_64 : vector<8192x16xf32>
    %tanh3A_68 = math.tanh %mul3A_67 : vector<8192x16xf32>
    %mul3A_69 = arith.constant 5.000000e-01 : f32
    %mul3A_70 = vector.broadcast %mul3A_69 : f32 to vector<8192x16xf32>
    %mul3A_71 = arith.mulf %mul3A_70, %tanh3A_68 : vector<8192x16xf32>
    %add3A_72 = arith.constant 5.000000e-01 : f32
    %add3A_73 = vector.broadcast %add3A_72 : f32 to vector<8192x16xf32>
    %add3A_74 = arith.addf %mul3A_71, %add3A_73 : vector<8192x16xf32>
    %mul3A_75 = arith.mulf %add3A_64, %add3A_74 : vector<8192x16xf32>
    %get3A_76 = arith.constant 0 : index
    %get3A_77 = arith.constant 0 : index
    %get3A_78 = vector.load %arg11[%get3A_76, %get3A_77] : memref<16x64xf32, #tpu.memory_space<vmem>>, vector<16x64xf32>
    %dot_general3A_79 = arith.constant dense<0.000000e+00> : vector<8192x64xf32>
    %dot_general3A_80 = tpu.matmul %mul3A_75, %get3A_78, %dot_general3A_79 {dimension_numbers = #tpu.dot_dimension_numbers<[1], [0], [0], [1], [0, 0, 1, 1], [], []>, transpose_lhs_hint = false} : vector<8192x16xf32>, vector<16x64xf32>, vector<8192x64xf32> -> vector<8192x64xf32>
    %get3A_81 = arith.constant 0 : index
    %get3A_82 = vector.load %arg12[%get3A_81] : memref<64xf32, #tpu.memory_space<vmem>>, vector<64xf32>
    %broadcast_in_dim3A_83 = vector.shape_cast %get3A_82 : vector<64xf32> to vector<1x64xf32>
    %add3A_84 = vector.broadcast %broadcast_in_dim3A_83 : vector<1x64xf32> to vector<8192x64xf32>
    %add3A_85 = arith.addf %dot_general3A_80, %add3A_84 : vector<8192x64xf32>
    %mul3A_86 = arith.constant 5.000000e-01 : f32
    %mul3A_87 = vector.broadcast %mul3A_86 : f32 to vector<8192x64xf32>
    %mul3A_88 = arith.mulf %mul3A_87, %add3A_85 : vector<8192x64xf32>
    %tanh3A_89 = math.tanh %mul3A_88 : vector<8192x64xf32>
    %mul3A_90 = arith.constant 5.000000e-01 : f32
    %mul3A_91 = vector.broadcast %mul3A_90 : f32 to vector<8192x64xf32>
    %mul3A_92 = arith.mulf %mul3A_91, %tanh3A_89 : vector<8192x64xf32>
    %add3A_93 = arith.constant 5.000000e-01 : f32
    %add3A_94 = vector.broadcast %add3A_93 : f32 to vector<8192x64xf32>
    %add3A_95 = arith.addf %mul3A_92, %add3A_94 : vector<8192x64xf32>
    %mul3A_96 = arith.mulf %add3A_85, %add3A_95 : vector<8192x64xf32>
    %get3A_97 = arith.constant 0 : index
    %get3A_98 = arith.constant 0 : index
    %get3A_99 = vector.load %arg13[%get3A_97, %get3A_98] : memref<64x1xf32, #tpu.memory_space<vmem>>, vector<64x1xf32>
    %dot_general3A_100 = arith.constant dense<0.000000e+00> : vector<8192x1xf32>
    %dot_general3A_101 = tpu.matmul %mul3A_96, %get3A_99, %dot_general3A_100 {dimension_numbers = #tpu.dot_dimension_numbers<[1], [0], [0], [1], [0, 0, 1, 1], [], []>, transpose_lhs_hint = false} : vector<8192x64xf32>, vector<64x1xf32>, vector<8192x1xf32> -> vector<8192x1xf32>
    %get3A_102 = arith.constant 0 : index
    %get3A_103 = vector.load %arg14[%get3A_102] : memref<1xf32, #tpu.memory_space<vmem>>, vector<1xf32>
    %broadcast_in_dim3A_104 = vector.shape_cast %get3A_103 : vector<1xf32> to vector<1x1xf32>
    %add3A_105 = vector.broadcast %broadcast_in_dim3A_104 : vector<1x1xf32> to vector<8192x1xf32>
    %add3A_106 = arith.addf %dot_general3A_101, %add3A_105 : vector<8192x1xf32>
    %reshape3A_107 = vector.shape_cast %add3A_106 : vector<8192x1xf32> to vector<32x256x1xf32>
    %mul3A_108 = vector.broadcast %reshape3A_107 : vector<32x256x1xf32> to vector<32x256x16xf32>
    %mul3A_109 = arith.mulf %mul3A_108, %sub3A_24 : vector<32x256x16xf32>
    %reduce_sum3A_110 = arith.constant dense<0.000000e+00> : vector<256x16xf32>
    %reduce_sum3A_111 = vector.multi_reduction <add>, %mul3A_109, %reduce_sum3A_110 [0] : vector<32x256x16xf32> to vector<256x16xf32>
    %add3A_112 = arith.addf %reduce_sum3A_111, %get3A_8 : vector<256x16xf32>
    %slice3A_113 = vector.extract_strided_slice %add3A_112 {offsets = [0, 0], sizes = [256, 3], strides = [1, 1]} : vector<256x16xf32> to vector<256x3xf32>
    %swap3A = arith.constant 0 : index
    %swap3A_114 = arith.constant 0 : index
    %swap3A_115 = arith.constant 0 : index
    %swap3A_116 = vector.load %arg20[%swap3A, %swap3A_114, %swap3A_115] : memref<1x256x3xf32, #tpu.memory_space<vmem>>, vector<1x256x3xf32>
    %swap3A_117 = vector.shape_cast %swap3A_116 : vector<1x256x3xf32> to vector<256x3xf32>
    %swap3A_118 = vector.shape_cast %slice3A_113 : vector<256x3xf32> to vector<1x256x3xf32>
    tpu.vector_store %arg20[%swap3A, %swap3A_114, %swap3A_115], %swap3A_118 {strides = array<i32>} : memref<1x256x3xf32, #tpu.memory_space<vmem>>, vector<1x256x3xf32>,
    %reshape3A_119 = vector.shape_cast %mul3A_75 : vector<8192x16xf32> to vector<32x256x16xf32>
    %reduce_sum3A_120 = arith.constant dense<0.000000e+00> : vector<256x16xf32>
    %reduce_sum3A_121 = vector.multi_reduction <add>, %reshape3A_119, %reduce_sum3A_120 [0] : vector<32x256x16xf32> to vector<256x16xf32>
    %concatenate3A = tpu.concatenate %get3A_3, %reduce_sum3A_121 in 1 : vector<256x64xf32>, vector<256x16xf32> -> vector<256x80xf32>
    %get3A_122 = arith.constant 0 : index
    %get3A_123 = arith.constant 0 : index
    %get3A_124 = vector.load %arg15[%get3A_122, %get3A_123] : memref<80x128xf32, #tpu.memory_space<vmem>>, vector<80x128xf32>
    %dot_general3A_125 = arith.constant dense<0.000000e+00> : vector<256x128xf32>
    %dot_general3A_126 = tpu.matmul %concatenate3A, %get3A_124, %dot_general3A_125 {dimension_numbers = #tpu.dot_dimension_numbers<[1], [0], [0], [1], [0, 0, 1, 1], [], []>, transpose_lhs_hint = false} : vector<256x80xf32>, vector<80x128xf32>, vector<256x128xf32> -> vector<256x128xf32>
    %get3A_127 = arith.constant 0 : index
    %get3A_128 = vector.load %arg16[%get3A_127] : memref<128xf32, #tpu.memory_space<vmem>>, vector<128xf32>
    %broadcast_in_dim3A_129 = vector.shape_cast %get3A_128 : vector<128xf32> to vector<1x128xf32>
    %add3A_130 = vector.broadcast %broadcast_in_dim3A_129 : vector<1x128xf32> to vector<256x128xf32>
    %add3A_131 = arith.addf %dot_general3A_126, %add3A_130 : vector<256x128xf32>
    %mul3A_132 = arith.constant 5.000000e-01 : f32
    %mul3A_133 = vector.broadcast %mul3A_132 : f32 to vector<256x128xf32>
    %mul3A_134 = arith.mulf %mul3A_133, %add3A_131 : vector<256x128xf32>
    %tanh3A_135 = math.tanh %mul3A_134 : vector<256x128xf32>
    %mul3A_136 = arith.constant 5.000000e-01 : f32
    %mul3A_137 = vector.broadcast %mul3A_136 : f32 to vector<256x128xf32>
    %mul3A_138 = arith.mulf %mul3A_137, %tanh3A_135 : vector<256x128xf32>
    %add3A_139 = arith.constant 5.000000e-01 : f32
    %add3A_140 = vector.broadcast %add3A_139 : f32 to vector<256x128xf32>
    %add3A_141 = arith.addf %mul3A_138, %add3A_140 : vector<256x128xf32>
    %mul3A_142 = arith.mulf %add3A_131, %add3A_141 : vector<256x128xf32>
    %get3A_143 = arith.constant 0 : index
    %get3A_144 = arith.constant 0 : index
    %get3A_145 = vector.load %arg17[%get3A_143, %get3A_144] : memref<128x64xf32, #tpu.memory_space<vmem>>, vector<128x64xf32>
    %dot_general3A_146 = arith.constant dense<0.000000e+00> : vector<256x64xf32>
    %dot_general3A_147 = tpu.matmul %mul3A_142, %get3A_145, %dot_general3A_146 {dimension_numbers = #tpu.dot_dimension_numbers<[1], [0], [0], [1], [0, 0, 1, 1], [], []>, transpose_lhs_hint = false} : vector<256x128xf32>, vector<128x64xf32>, vector<256x64xf32> -> vector<256x64xf32>
    %get3A_148 = arith.constant 0 : index
    %get3A_149 = vector.load %arg18[%get3A_148] : memref<64xf32, #tpu.memory_space<vmem>>, vector<64xf32>
    %broadcast_in_dim3A_150 = vector.shape_cast %get3A_149 : vector<64xf32> to vector<1x64xf32>
    %add3A_151 = vector.broadcast %broadcast_in_dim3A_150 : vector<1x64xf32> to vector<256x64xf32>
    %add3A_152 = arith.addf %dot_general3A_147, %add3A_151 : vector<256x64xf32>
    %add3A_153 = arith.addf %add3A_152, %get3A_3 : vector<256x64xf32>
    %swap3A_154 = arith.constant 0 : index
    %swap3A_155 = arith.constant 0 : index
    %swap3A_156 = arith.constant 0 : index
    %swap3A_157 = vector.load %arg19[%swap3A_154, %swap3A_155, %swap3A_156] : memref<1x256x64xf32, #tpu.memory_space<vmem>>, vector<1x256x64xf32>
    %swap3A_158 = vector.shape_cast %swap3A_157 : vector<1x256x64xf32> to vector<256x64xf32>
    %swap3A_159 = vector.shape_cast %add3A_153 : vector<256x64xf32> to vector<1x256x64xf32>
    tpu.vector_store %arg19[%swap3A_154, %swap3A_155, %swap3A_156], %swap3A_159 {strides = array<i32>} : memref<1x256x64xf32, #tpu.memory_space<vmem>>, vector<1x256x64xf32>,
    return
  }
  func.func @transform_0(%arg0: i32, %arg1: i32) -> (i32, i32, i32) {
    %c0_i32 = arith.constant 0 : i32
    %c0_i32_0 = arith.constant 0 : i32
    return %arg0, %arg1, %c0_i32 : i32, i32, i32
  }
  func.func @transform_1(%arg0: i32, %arg1: i32) -> (i32, i32, i32) {
    %c0_i32 = arith.constant 0 : i32
    %c0_i32_0 = arith.constant 0 : i32
    return %arg0, %arg1, %c0_i32 : i32, i32, i32
  }
  func.func @transform_2(%arg0: i32, %arg1: i32) -> (i32, i32, i32, i32) {
    %c0_i32 = arith.constant 0 : i32
    %c0_i32_0 = arith.constant 0 : i32
    %c0_i32_1 = arith.constant 0 : i32
    %c0_i32_2 = arith.constant 0 : i32
    return %c0_i32, %arg1, %c0_i32_0, %c0_i32_1 : i32, i32, i32, i32
  }
  func.func @transform_3(%arg0: i32, %arg1: i32) -> (i32, i32) {
    %c0_i32 = arith.constant 0 : i32
    %c0_i32_0 = arith.constant 0 : i32
    %c0_i32_1 = arith.constant 0 : i32
    return %c0_i32, %c0_i32_0 : i32, i32
  }
  func.func @transform_4(%arg0: i32, %arg1: i32) -> (i32, i32) {
    %c0_i32 = arith.constant 0 : i32
    %c0_i32_0 = arith.constant 0 : i32
    %c0_i32_1 = arith.constant 0 : i32
    return %c0_i32, %c0_i32_0 : i32, i32
  }
  func.func @transform_5(%arg0: i32, %arg1: i32) -> (i32, i32) {
    %c0_i32 = arith.constant 0 : i32
    %c0_i32_0 = arith.constant 0 : i32
    %c0_i32_1 = arith.constant 0 : i32
    return %c0_i32, %c0_i32_0 : i32, i32
  }
  func.func @transform_6(%arg0: i32, %arg1: i32) -> i32 {
    %c0_i32 = arith.constant 0 : i32
    %c0_i32_0 = arith.constant 0 : i32
    return %c0_i32 : i32
  }
  func.func @transform_7(%arg0: i32, %arg1: i32) -> (i32, i32) {
    %c0_i32 = arith.constant 0 : i32
    %c0_i32_0 = arith.constant 0 : i32
    %c0_i32_1 = arith.constant 0 : i32
    return %c0_i32, %c0_i32_0 : i32, i32
  }
  func.func @transform_8(%arg0: i32, %arg1: i32) -> i32 {
    %c0_i32 = arith.constant 0 : i32
    %c0_i32_0 = arith.constant 0 : i32
    return %c0_i32 : i32
  }
  func.func @transform_9(%arg0: i32, %arg1: i32) -> (i32, i32) {
    %c0_i32 = arith.constant 0 : i32
    %c0_i32_0 = arith.constant 0 : i32
    %c0_i32_1 = arith.constant 0 : i32
    return %c0_i32, %c0_i32_0 : i32, i32
  }
  func.func @transform_10(%arg0: i32, %arg1: i32) -> i32 {
    %c0_i32 = arith.constant 0 : i32
    %c0_i32_0 = arith.constant 0 : i32
    return %c0_i32 : i32
  }
  func.func @transform_11(%arg0: i32, %arg1: i32) -> (i32, i32) {
    %c0_i32 = arith.constant 0 : i32
    %c0_i32_0 = arith.constant 0 : i32
    %c0_i32_1 = arith.constant 0 : i32
    return %c0_i32, %c0_i32_0 : i32, i32
  }
  func.func @transform_12(%arg0: i32, %arg1: i32) -> i32 {
    %c0_i32 = arith.constant 0 : i32
    %c0_i32_0 = arith.constant 0 : i32
    return %c0_i32 : i32
  }
  func.func @transform_13(%arg0: i32, %arg1: i32) -> (i32, i32) {
    %c0_i32 = arith.constant 0 : i32
    %c0_i32_0 = arith.constant 0 : i32
    %c0_i32_1 = arith.constant 0 : i32
    return %c0_i32, %c0_i32_0 : i32, i32
  }
  func.func @transform_14(%arg0: i32, %arg1: i32) -> i32 {
    %c0_i32 = arith.constant 0 : i32
    %c0_i32_0 = arith.constant 0 : i32
    return %c0_i32 : i32
  }
  func.func @transform_15(%arg0: i32, %arg1: i32) -> (i32, i32) {
    %c0_i32 = arith.constant 0 : i32
    %c0_i32_0 = arith.constant 0 : i32
    %c0_i32_1 = arith.constant 0 : i32
    return %c0_i32, %c0_i32_0 : i32, i32
  }
  func.func @transform_16(%arg0: i32, %arg1: i32) -> i32 {
    %c0_i32 = arith.constant 0 : i32
    %c0_i32_0 = arith.constant 0 : i32
    return %c0_i32 : i32
  }
  func.func @transform_17(%arg0: i32, %arg1: i32) -> (i32, i32, i32) {
    %c0_i32 = arith.constant 0 : i32
    %c0_i32_0 = arith.constant 0 : i32
    return %arg0, %arg1, %c0_i32 : i32, i32, i32
  }
  func.func @transform_18(%arg0: i32, %arg1: i32) -> (i32, i32, i32) {
    %c0_i32 = arith.constant 0 : i32
    %c0_i32_0 = arith.constant 0 : i32
    return %arg0, %arg1, %c0_i32 : i32, i32, i32
  }
}

</mosaic_0001>

<sc_bundles>
// kernel: kernel.11.cloned.1.call-start
scs
__scs_entry_jumppad:
0x0: {  	(pc) =	sbr.rel $0x88, $3  }
0x1: {  	(tag) =	ssettag $0x0;
	lr =	simm.s32 $0x1  }
0x2: {  	[smem:$0x3F93] =	sst lr;
	_ =	strace $0xD0000000  }
0x3: {  	_ = 	snop  }
0x4: {  	_ = 	snop  }
0x5: {  	_ = 	snop  }
0x6: {  	_ = 	snop  }
0x7: {  	_ = 	snop  }
__scs_overlays_trampoline_lowered:
0x8: {  	[smem:$0x3FA2] =	sst s0  }
0x9: {  	[smem:$0x3FA3] =	sst s1  }
0xa: {  	[smem:$0x3FA4] =	sst s2  }
0xb: {  	[smem:$0x3FA5] =	sst s3  }
0xc: {  	[smem:$0x3FA6] =	sst s4  }
0xd: {  	[smem:$0x3FA7] =	sst s5  }
0xe: {  	[smem:$0x3FA8] =	sst s6  }
0xf: {  	[smem:$0x3FA9] =	sst s7  }
0x10: {  	[smem:$0x3FAA] =	sst s8  }
0x11: {  	[smem:$0x3FAB] =	sst s9;
	s0 =	simm.s32 @!p0 $0x0  }
0x12: {  	s1 =	sld [smem:$0x3F91];
	s0 =	simm.s32 @p0 $0x1  }
0x13: {  	[smem:$0x3FAC] =	sst s0;
	s0 =	simm.s32 @!p1 $0x0  }
0x14: {  	s2 =	sld [smem:$0x3F90];
	s0 =	simm.s32 @p1 $0x1  }
0x15: {  	[smem:$0x3FAD] =	sst s0;
	s0 =	simm.s32 @!p2 $0x0  }
0x16: {  	s3 =	sld [smem:$0x3FDB];
	s0 =	simm.s32 @p2 $0x1  }
0x17: {  	s4 =	simm.s32 $0x1BF5;
	[smem:$0x3FAF] =	sst s0  }
0x18: {  	s0 =	sld [smem:$0x3F92];
	_ =	swait.ge [sflag:s4], $0x0  }
0x19: {  	s7 =	sld [smem:$0x3F93]  }
0x1a: {  	s8 =	sadd.s32 $0xFFFFE003, lr  }
0x1b: {  	s9 =	sadd.s32 $0xFFFFFEF7, lr;
	s5 =	simm.s32 $0xFFFFFFFF;
	p2 =	slt.u32 s8, $0xFFFFF086  }
0x1c: {  	p1 =	slt.u32 s9, $0xF7A;
	s5 =	simm.s32 @!p2 $0x0  }
0x1d: {  	s5 =	simm.s32 @p1 $0x1;
	p0 =	seq.s32 s7, s2  }
0x1e: {  	s7 =	smul.u32 @!p0 $0xF7A, s2;
	p2 =	seq.s32 @!p0 s5, $0x0  }
0x1f: {  	s9 =	smul.u32 $0xF7A, s1;
	s8 =	simm.s32 @!p0 $0x1BF5;
	p2 =	por !p2, p0  }
0x20: {  	[sflag:s8] =	ssyncset.s32 @!p0 $0xFFFFF086;
	s6 =	sadd.s32 @!p0 s3, s7;
	s7 =	simm.s32 @!p0 $0x108  }
0x21: {  	s3 =	sadd.s32 s3, s9;
	s6 =	sadd.s32 @!p0 $0x88, s6;
	s7 =	simm.s32 @p2 $0x1082  }
0x22: {  	[simem:s7], [sflag:s8] =	dma.local @!p0 [hbm:s6], $0xF7A  }
0x23: {  	s9 =	sor.u32 $0xD0000000, s2;
	s6 =	simm.s32 $0x108;
	_ =	swait.ge @!p0 [sflag:s8], $0x0  }
0x24: {  	s3 =	sadd.s32 $0x88, s3;
	s6 =	simm.s32 @!p1 $0x1082;
	[sflag:s4] =	ssyncset.s32 $0xFFFFF086  }
0x25: {  	[simem:s6], [sflag:s4] =	dma.local [hbm:s3], $0xF7A  }
0x26: {  	[smem:$0x3F93] =	sst s1;
	(tag) =	ssettag s2;
	_ =	strace s9  }
0x27: {  	s1 =	sld [smem:$0x3FA3]  }
0x28: {  	s2 =	sld [smem:$0x3FA4]  }
0x29: {  	s4 =	sld [smem:$0x3FA6]  }
0x2a: {  	p0 =	seq.s32 s5, $0x0;
	s5 =	sld [smem:$0x3FA7]  }
0x2b: {  	s6 =	sld [smem:$0x3FA8]  }
0x2c: {  	s7 =	sld [smem:$0x3FA9]  }
0x2d: {  	s3 =	simm.s32 $0x108;
	s8 =	sld [smem:$0x3FAA]  }
0x2e: {  	s3 =	simm.s32 @!p0 $0x1082;
	s9 =	sld [smem:$0x3FAB]  }
0x2f: {  	lr =	sadd.s32 s0, s3;
	s0 =	sld [smem:$0x3FA2]  }
0x30: {  	s3 =	sld [smem:$0x3FA5]  }
0x31: {  	[smem:$0x3FAE] =	sst s10  }
0x32: {  	s10 =	sld [smem:$0x3FAC];
	_ =	sdelay $0x3  }
0x33: {  	p0 =	seq.s32 s10, $0x1;
	s10 =	sld [smem:$0x3FAE];
	_ =	sdelay $0x3  }
0x34: {  	[smem:$0x3FAE] =	sst s10  }
0x35: {  	s10 =	sld [smem:$0x3FAD];
	_ =	sdelay $0x3  }
0x36: {  	p1 =	seq.s32 s10, $0x1;
	s10 =	sld [smem:$0x3FAE];
	_ =	sdelay $0x3  }
0x37: {  	[smem:$0x3FAE] =	sst s10  }
0x38: {  	s10 =	sld [smem:$0x3FAF]  }
0x39: {  	_ = 	snop;
	(pc) =	sbr.ind lr, $3  }
0x3a: {  	_ = 	snop  }
0x3b: {  	_ = 	snop  }
0x3c: {  	p2 =	seq.s32 s10, $0x1;
	s10 =	sld [smem:$0x3FAE]  }
0x3d: {  	_ =	shalt  }
0x3e: {  	_ =	shalt  }
0x3f: {  	_ =	shalt  }
0x40: {  	_ =	shalt  }
0x41: {  	_ =	shalt  }
0x42: {  	_ =	shalt  }
0x43: {  	_ =	shalt  }
0x44: {  	_ =	shalt  }
0x45: {  	_ =	shalt  }
0x46: {  	_ =	shalt  }
0x47: {  	_ =	shalt  }
0x48: {  	_ =	shalt  }
0x49: {  	_ =	shalt  }
0x4a: {  	_ =	shalt  }
0x4b: {  	_ =	shalt  }
0x4c: {  	_ =	shalt  }
0x4d: {  	_ =	shalt  }
0x4e: {  	_ =	shalt  }
0x4f: {  	_ =	shalt  }
0x50: {  	_ =	shalt  }
0x51: {  	_ =	shalt  }
0x52: {  	_ =	shalt  }
0x53: {  	_ =	shalt  }
0x54: {  	_ =	shalt  }
0x55: {  	_ =	shalt  }
0x56: {  	_ =	shalt  }
0x57: {  	_ =	shalt  }
0x58: {  	_ =	shalt  }
0x59: {  	_ =	shalt  }
0x5a: {  	_ =	shalt  }
0x5b: {  	_ =	shalt  }
0x5c: {  	_ =	shalt  }
0x5d: {  	_ =	shalt  }
0x5e: {  	_ =	shalt  }
0x5f: {  	_ =	shalt  }
0x60: {  	_ =	shalt  }
0x61: {  	_ =	shalt  }
0x62: {  	_ =	shalt  }
0x63: {  	_ =	shalt  }
0x64: {  	_ =	shalt  }
0x65: {  	_ =	shalt  }
0x66: {  	_ =	shalt  }
0x67: {  	_ =	shalt  }
0x68: {  	_ =	shalt  }
0x69: {  	_ =	shalt  }
0x6a: {  	_ =	shalt  }
0x6b: {  	_ =	shalt  }
0x6c: {  	_ =	shalt  }
0x6d: {  	_ =	shalt  }
0x6e: {  	_ =	shalt  }
0x6f: {  	_ =	shalt  }
0x70: {  	_ =	shalt  }
0x71: {  	_ =	shalt  }
0x72: {  	_ =	shalt  }
0x73: {  	_ =	shalt  }
0x74: {  	_ =	shalt  }
0x75: {  	_ =	shalt  }
0x76: {  	_ =	shalt  }
0x77: {  	_ =	shalt  }
0x78: {  	_ =	shalt  }
0x79: {  	_ =	shalt  }
0x7a: {  	_ =	shalt  }
0x7b: {  	_ =	shalt  }
0x7c: {  	_ =	shalt  }
0x7d: {  	_ =	shalt  }
0x7e: {  	_ =	shalt  }
0x7f: {  	_ =	shalt  }
0x80: {  	_ =	shalt  }
0x81: {  	_ =	shalt  }
0x82: {  	_ =	shalt  }
0x83: {  	_ =	shalt  }
0x84: {  	_ =	shalt  }
0x85: {  	_ =	shalt  }
0x86: {  	_ =	shalt  }
0x87: {  	_ =	shalt  }
.Lfunc_end0:
.L_simem_size_0:
called_computation.1_lowered:
.L_overlay_start_0:
0x88: {  	s2 =	sld [smem:$0x3FD9]  }
0x89: {  	s3 =	sld [smem:$0x3FFE];
	_ =	sdelay $0x1  }
0x8a: {  	s1 =	srdreg.scid  }
0x8b: {  	s0 =	sand.u32 $0x1, s1  }
0x8c: {  	s14 =	sshll.u32 s0, $0xA;
	s2 =	sadd.s32 s3, s2  }
0x8d: {  	s2 =	sadd.s32 s2, s14  }
0x8e: {  	[smem:$0x3FBA] =	sst s2  }
0x8f: {  	_ = 	snop  }
0x90: {  	s2 =	sld [smem:$0x3FD0];
	_ =	sdelay $0x2  }
0x91: {  	s15 =	simm.s32 $0xB;
	s4 =	simm.s32 $0x10  }
0x92: {  	[smem:s4], [sflag:s15] =	dma.local [hbm:s2], $0x1  }
0x93: {  	_ =	swait.eq [sflag:s15], $0x1  }
0x94: {  	[sflag:s15] =	ssyncset.done $0x0  }
0x95: {  	[sflag:s15] =	ssyncadd.s32 $0xFFFFFFFF  }
0x96: {  	s16 =	sld [smem:$0x10];
	(tm) =	ssettm $0x1  }
0x97: {  	s17 =	sld [smem:$0x3FFB];
	_ =	sdelay $0x3  }
0x98: {  	_ =	strace s17  }
0x99: {  	s3 =	sld [smem:$0x3FFC];
	_ =	sdelay $0x3  }
0x9a: {  	_ =	strace s3  }
0x9b: {  	s3 =	sld [smem:$0x3FFD];
	_ =	sdelay $0x3  }
0x9c: {  	_ =	strace s3  }
0x9d: {  	_ =	strace $0x8FFFFFFF  }
0x9e: {  	s18 =	sld [smem:$0x3FDB];
	_ =	sdelay $0x1  }
0x9f: {  	s19 =	simm.s32 $_scs_section_size  }
0xa0: {  	s5 =	simm.s32 $_size__tile_overlayer_lowered;
	s6 =	simm.s32 $_tile_overlayer_lowered  }
0xa1: {  	s22 =	simm.s32 $0x1BFF;
	s21 =	sshll.u32 s6, $0x1;
	s3 =	sadd.s32 s19, s18  }
0xa2: {  	s7 =	simm.s32 $0x0;
	s20 =	sshll.u32 s5, $0x1;
	s5 =	sadd.s32 s21, s3  }
0xa3: {  	[timem:s7], [sflag:s22] =	dma.local [hbm:s5], s20  }
0xa4: {  	_ =	swait.ge [sflag:s22], s20  }
0xa5: {  	s4 =	ssub.s32 $0x0, s20;
	[sflag:s22] =	ssyncset.done $0x0  }
0xa6: {  	[sflag:s22] =	ssyncadd.s32 s4;
	_ =	sdelay $0x1  }
0xa7: {  	s23 =	simm.s32 $0x1B8B  }
0xa8: {  	_ =	swait.ge [sflag:s23], $0x1  }
0xa9: {  	[sflag:s23] =	ssyncset.done $0x0  }
0xaa: {  	s25 =	simm.s32 $0x1B8E;
	s24 =	sld [smem:$0x3FFE];
	[sflag:s23] =	ssyncadd.s32 $0xFFFFFFFF  }
0xab: {  	s26 =	simm.s32 $execute0_lowered;
	[smem:$0x3FD2] =	sst s25  }
0xac: {  	s5 =	sshll.u32 s26, $0x1;
	_ =	strace $0x80000046;
	[dreg:$0x1] =	wrdreg $0xFFFFFFFF  }
0xad: {  	s28 =	simm.s32 $_size_execute0_lowered;
	s3 =	sadd.s32 s3, s5;
	[dreg:$0x0] =	wrdreg $0x0  }
0xae: {  	s5 =	sshll.u32 s28, $0x1;
	[dreg:$0x2] =	wrdreg s3  }
0xaf: {  	[dreg:$0x3] =	wrdreg s5  }
0xb0: {  	[dreg:$0x4] =	wrdreg $0xC0  }
0xb1: {  	_ =	task [dreg:s7], $0x5FFFF  }
0xb2: {  	[dreg:$0x1] =	wrdreg $0xFFFFFFFF  }
0xb3: {  	[dreg:$0x0] =	wrdreg $0x60  }
0xb4: {  	[dreg:$0x2] =	wrdreg s24  }
0xb5: {  	[dreg:$0x3] =	wrdreg s16  }
0xb6: {  	[dreg:$0x4] =	wrdreg $0xA  }
0xb7: {  	_ =	task.clear_ibuf [dreg:s7], $0x5FFFF;
	_ =	strace $0x90000046  }
0xb8: {  	s29 =	simm.s32 $0xA;
	_ =	strace $0x80000048  }
0xb9: {  	_ =	swait.ge [sflag:s29], $0x1  }
0xba: {  	[sflag:s29] =	ssyncadd.s32 $0xFFFFFFFF  }
0xbb: {  	_ =	strace $0x90000048  }
0xbc: {  	_ =	sfence  }
0xbd: {  	s30 =	sld [smem:$0x0];
	_ =	sdelay $0x2  }
0xbe: {  	s31 =	sshll.u32 s1, $0xD;
	s1 =	sshrl.u32 s1, $0x2  }
0xbf: {  	s3 =	sand.u32 $0x4000, s31;
	s1 =	sadd.s32 s1, s30  }
0xc0: {  	s0 =	sor.u32 s3, s0;
	s1 =	sshll.u32 s1, $0x11  }
0xc1: {  	s0 =	sor.u32 s1, s0  }
0xc2: {  	s0 =	sadd.s32 $0x8F2B, s0  }
0xc3: {  	[sflag:s0] =	ssyncadd.remote.s32 $0x1  }
0xc4: {  	_ =	sfence.sel $0xFFFF  }
0xc5: {  	[dreg:$0x0] =	wrdreg $0xFFFFFFFF;
	(pc) =	sbr.abs _section_cstart, $3  }
0xc6: {  	[dreg:$0x1] =	wrdreg $0xFFFFFFFF  }
0xc7: {  	_ =	task.clear_ibuf [dreg:s7], $0x2FFFF;
	_ =	strace $0x9FFFFFFF  }
0xc8: {  	(tm) =	ssettm $0x7FFFFFFF  }
0xc9: {  	_ =	shalt  }
tec
execute0_lowered:
.L_overlay_start_1:
0x0: {  	(tag) =	ssettag $0x1  }
0x1: {  	s1 =	srdreg.scid  }
0x2: {  	s8 =	rddreg [dreg:$0x0];
	s0 =	stileid.u32;
	s14 =	sand.u32 $0x1, s1  }
0x3: {  	s13 =	rddreg [dreg:$0x1];
	s3 =	sshll.u32 s0, $0xC;
	s4 =	sshll.u32 s14, $0xB  }
0x4: {  	s2 =	simm.s32 $0x0;
	s1 =	rddreg [dreg:$0x2];
	s15 =	sor.u32 s4, s3  }
0x5: {  	[smem:$0x7FF] =	sst s2;
	s3 =	sshrl.u32 s15, $0x3  }
0x6: {  	_ =	strace $0x80000047;
	s4 =	sadd.s32 s13, s3;
	s3 =	simm.s32 $0x2  }
0x7: {  	[tilespmem:s2], [sflag:$0x2] =	stream.linear.gather [hbm4b:s4+s2], $0x200, $0x38;
	[tilespmem:$0x10200] =	vst v63  }
0x8: {  	_ =	swait.ge [sflag:s3], $0x200  }
0x9: {  	s6 =	simm.s32 $0x200;
	[sflag:s3] =	ssyncset.done $0x0  }
0xa: {  	s7 =	simm.s32 $0x1;
	s5 =	sadd.s32 $0x2E00, s8;
	[sflag:s3] =	ssyncadd.s32 $0xFFFFFE00  }
0xb: {  	[tilespmem:s6], [sflag:$0x1] =	stream.indirect.gather [hbm4b:s5+s6], $0x80, s2, s6, $0xb8;
	[tilespmem:$0x10200] =	vst v63  }
0xc: {  	_ =	swait.ge [sflag:s7], $0x10000  }
0xd: {  	s16 =	sadd.s32 $0x12E00, s8;
	s28 =	sshll.u32 s15, $0x4;
	[sflag:s7] =	ssyncset.done $0x0  }
0xe: {  	s8 =	sadd.s32 s16, s28;
	[sflag:s7] =	ssyncadd.s32 $0xFFFF0000  }
0xf: {  	[hbm4b:s8+s2] =	stream.linear.scatter [tilespmem:s6], [sflag:$0x2], $0x10000, $0x38;
	[tilespmem:$0x10200] =	vst v63  }
0x10: {  	s10 =	sor.u32 $0x200, s15;
	_ =	swait.ge [sflag:s3], $0x10000  }
0x11: {  	s9 =	sshrl.u32 s10, $0x3;
	[sflag:s3] =	ssyncset.done $0x0  }
0x12: {  	s9 =	sadd.s32 s13, s9;
	[sflag:s3] =	ssyncadd.s32 $0xFFFF0000  }
0x13: {  	[tilespmem:s2], [sflag:$0x2] =	stream.linear.gather [hbm4b:s9+s2], $0x200, $0x38;
	[tilespmem:$0x10200] =	vst v63  }
0x14: {  	_ =	swait.ge [sflag:s3], $0x200  }
0x15: {  	[sflag:s3] =	ssyncset.done $0x0  }
0x16: {  	[sflag:s3] =	ssyncadd.s32 $0xFFFFFE00  }
0x17: {  	[tilespmem:s6], [sflag:$0x1] =	stream.indirect.gather [hbm4b:s5+s6], $0x80, s2, s6, $0xb8;
	[tilespmem:$0x10200] =	vst v63  }
0x18: {  	_ =	swait.ge [sflag:s7], $0x10000  }
0x19: {  	s10 =	sshll.u32 s10, $0x4;
	[sflag:s7] =	ssyncset.done $0x0  }
0x1a: {  	s10 =	sadd.s32 s16, s10;
	[sflag:s7] =	ssyncadd.s32 $0xFFFF0000  }
0x1b: {  	[hbm4b:s10+s2] =	stream.linear.scatter [tilespmem:s6], [sflag:$0x2], $0x10000, $0x38;
	[tilespmem:$0x10200] =	vst v63  }
0x1c: {  	s12 =	sor.u32 $0x400, s15;
	_ =	swait.ge [sflag:s3], $0x10000  }
0x1d: {  	s11 =	sshrl.u32 s12, $0x3;
	[sflag:s3] =	ssyncset.done $0x0  }
0x1e: {  	s11 =	sadd.s32 s13, s11;
	[sflag:s3] =	ssyncadd.s32 $0xFFFF0000  }
0x1f: {  	[tilespmem:s2], [sflag:$0x2] =	stream.linear.gather [hbm4b:s11+s2], $0x200, $0x38;
	[tilespmem:$0x10200] =	vst v63  }
0x20: {  	_ =	swait.ge [sflag:s3], $0x200  }
0x21: {  	[sflag:s3] =	ssyncset.done $0x0  }
0x22: {  	[sflag:s3] =	ssyncadd.s32 $0xFFFFFE00  }
0x23: {  	[tilespmem:s6], [sflag:$0x1] =	stream.indirect.gather [hbm4b:s5+s6], $0x80, s2, s6, $0xb8;
	[tilespmem:$0x10200] =	vst v63  }
0x24: {  	_ =	swait.ge [sflag:s7], $0x10000  }
0x25: {  	s12 =	sshll.u32 s12, $0x4;
	[sflag:s7] =	ssyncset.done $0x0  }
0x26: {  	s12 =	sadd.s32 s16, s12;
	[sflag:s7] =	ssyncadd.s32 $0xFFFF0000  }
0x27: {  	[hbm4b:s12+s2] =	stream.linear.scatter [tilespmem:s6], [sflag:$0x2], $0x10000, $0x38;
	[tilespmem:$0x10200] =	vst v63  }
0x28: {  	s15 =	sor.u32 $0x600, s15;
	_ =	swait.ge [sflag:s3], $0x10000  }
0x29: {  	s17 =	sshrl.u32 s15, $0x3;
	[sflag:s3] =	ssyncset.done $0x0  }
0x2a: {  	s14 =	ssub.s32 $0x2, s14;
	s13 =	sadd.s32 s13, s17;
	[sflag:s3] =	ssyncadd.s32 $0xFFFF0000  }
0x2b: {  	[tilespmem:s2], [sflag:$0x2] =	stream.linear.gather [hbm4b:s13+s2], $0x200, $0x38;
	[tilespmem:$0x10200] =	vst v63  }
0x2c: {  	s29 =	sshrl.u32 s14, $0x1;
	_ =	swait.ge [sflag:s3], $0x200  }
0x2d: {  	s17 =	ssub.s32 s14, s29;
	[sflag:s3] =	ssyncset.done $0x0  }
0x2e: {  	s31 =	smax.u32 s17, $0x1;
	[sflag:s3] =	ssyncadd.s32 $0xFFFFFE00  }
0x2f: {  	[tilespmem:s6], [sflag:$0x1] =	stream.indirect.gather [hbm4b:s5+s6], $0x80, s2, s6, $0xb8;
	[tilespmem:$0x10200] =	vst v63  }
0x30: {  	p0 =	sne.s32 s31, $0x1;
	_ =	swait.ge [sflag:s7], $0x10000  }
.Ltmp0:
0x31: {  	s30 =	sshll.u32 s15, $0x4;
	[sflag:s7] =	ssyncset.done $0x0;
	(pc) =	sbr.rel @!p0 .LBB2_2-.Ltmp0, $4  }
0x32: {  	s14 =	sadd.s32 s16, s30;
	[sflag:s7] =	ssyncadd.s32 $0xFFFF0000  }
0x33: {  	[hbm4b:s14+s2] =	stream.linear.scatter [tilespmem:s6], [sflag:$0x2], $0x10000, $0x38;
	[tilespmem:$0x10200] =	vst v63  }
0x34: {  	_ =	swait.ge [sflag:s3], $0x10000  }
0x35: {  	s15 =	sadd.s32 $0xFFFFFFFF, s31;
	[sflag:s3] =	ssyncset.done $0x0  }
.LBB2_1:
0x36: {  	p0 =	sne.s32 s15, $0x1;
	s15 =	sadd.s32 $0xFFFFFFFF, s15;
	[sflag:s3] =	ssyncadd.s32 $0xFFFF0000  }
0x37: {  	[tilespmem:s2], [sflag:$0x2] =	stream.linear.gather [hbm4b:s4+s2], $0x200, $0x38;
	[tilespmem:$0x10200] =	vst v63  }
0x38: {  	_ =	swait.ge [sflag:s3], $0x200  }
0x39: {  	[sflag:s3] =	ssyncset.done $0x0  }
0x3a: {  	[sflag:s3] =	ssyncadd.s32 $0xFFFFFE00  }
0x3b: {  	[tilespmem:s6], [sflag:$0x1] =	stream.indirect.gather [hbm4b:s5+s6], $0x80, s2, s6, $0xb8;
	[tilespmem:$0x10200] =	vst v63  }
0x3c: {  	_ =	swait.ge [sflag:s7], $0x10000  }
0x3d: {  	[sflag:s7] =	ssyncset.done $0x0  }
0x3e: {  	[sflag:s7] =	ssyncadd.s32 $0xFFFF0000  }
0x3f: {  	[hbm4b:s8+s2] =	stream.linear.scatter [tilespmem:s6], [sflag:$0x2], $0x10000, $0x38;
	[tilespmem:$0x10200] =	vst v63  }
0x40: {  	_ =	swait.ge [sflag:s3], $0x10000  }
0x41: {  	[sflag:s3] =	ssyncset.done $0x0  }
0x42: {  	[sflag:s3] =	ssyncadd.s32 $0xFFFF0000  }
0x43: {  	[tilespmem:s2], [sflag:$0x2] =	stream.linear.gather [hbm4b:s9+s2], $0x200, $0x38;
	[tilespmem:$0x10200] =	vst v63  }
0x44: {  	_ =	swait.ge [sflag:s3], $0x200  }
0x45: {  	[sflag:s3] =	ssyncset.done $0x0  }
0x46: {  	[sflag:s3] =	ssyncadd.s32 $0xFFFFFE00  }
0x47: {  	[tilespmem:s6], [sflag:$0x1] =	stream.indirect.gather [hbm4b:s5+s6], $0x80, s2, s6, $0xb8;
	[tilespmem:$0x10200] =	vst v63  }
0x48: {  	_ =	swait.ge [sflag:s7], $0x10000  }
0x49: {  	[sflag:s7] =	ssyncset.done $0x0  }
0x4a: {  	[sflag:s7] =	ssyncadd.s32 $0xFFFF0000  }
0x4b: {  	[hbm4b:s10+s2] =	stream.linear.scatter [tilespmem:s6], [sflag:$0x2], $0x10000, $0x38;
	[tilespmem:$0x10200] =	vst v63  }
0x4c: {  	_ =	swait.ge [sflag:s3], $0x10000  }
0x4d: {  	[sflag:s3] =	ssyncset.done $0x0  }
0x4e: {  	[sflag:s3] =	ssyncadd.s32 $0xFFFF0000  }
0x4f: {  	[tilespmem:s2], [sflag:$0x2] =	stream.linear.gather [hbm4b:s11+s2], $0x200, $0x38;
	[tilespmem:$0x10200] =	vst v63  }
0x50: {  	_ =	swait.ge [sflag:s3], $0x200  }
0x51: {  	[sflag:s3] =	ssyncset.done $0x0  }
0x52: {  	[sflag:s3] =	ssyncadd.s32 $0xFFFFFE00  }
0x53: {  	[tilespmem:s6], [sflag:$0x1] =	stream.indirect.gather [hbm4b:s5+s6], $0x80, s2, s6, $0xb8;
	[tilespmem:$0x10200] =	vst v63  }
0x54: {  	_ =	swait.ge [sflag:s7], $0x10000  }
0x55: {  	[sflag:s7] =	ssyncset.done $0x0  }
0x56: {  	[sflag:s7] =	ssyncadd.s32 $0xFFFF0000  }
0x57: {  	[hbm4b:s12+s2] =	stream.linear.scatter [tilespmem:s6], [sflag:$0x2], $0x10000, $0x38;
	[tilespmem:$0x10200] =	vst v63  }
0x58: {  	_ =	swait.ge [sflag:s3], $0x10000  }
0x59: {  	[sflag:s3] =	ssyncset.done $0x0  }
0x5a: {  	[sflag:s3] =	ssyncadd.s32 $0xFFFF0000  }
0x5b: {  	[tilespmem:s2], [sflag:$0x2] =	stream.linear.gather [hbm4b:s13+s2], $0x200, $0x38;
	[tilespmem:$0x10200] =	vst v63  }
0x5c: {  	_ =	swait.ge [sflag:s3], $0x200  }
0x5d: {  	[sflag:s3] =	ssyncset.done $0x0  }
0x5e: {  	[sflag:s3] =	ssyncadd.s32 $0xFFFFFE00  }
0x5f: {  	[tilespmem:s6], [sflag:$0x1] =	stream.indirect.gather [hbm4b:s5+s6], $0x80, s2, s6, $0xb8;
	[tilespmem:$0x10200] =	vst v63  }
0x60: {  	_ =	swait.ge [sflag:s7], $0x10000  }
.Ltmp1:
0x61: {  	[sflag:s7] =	ssyncset.done $0x0;
	(pc) =	sbr.rel @p0 .LBB2_1-.Ltmp1, $4  }
0x62: {  	[sflag:s7] =	ssyncadd.s32 $0xFFFF0000  }
0x63: {  	[hbm4b:s14+s2] =	stream.linear.scatter [tilespmem:s6], [sflag:$0x2], $0x10000, $0x38;
	[tilespmem:$0x10200] =	vst v63  }
0x64: {  	_ =	swait.ge [sflag:s3], $0x10000  }
0x65: {  	[sflag:s3] =	ssyncset.done $0x0  }
.LBB2_2:
0x66: {  	[sflag:s3] =	ssyncadd.s32 $0xFFFF0000  }
0x67: {  	_ =	sfence.sel $0x180000  }
0x68: {  	[bflag:$0x0] =	sbarrier.arrive $0xFFFF  }
0x69: {  	p0 =	sne.s32 s0, $0x0;
	_ =	strace $0x90000047  }
0x6a: {  	s0 =	sadd.s32 @!p0 $0x100000, s1;
	[bflag:$0x2] =	sbarrier.arrive $0xFFFF  }
0x6b: {  	[sflag:s0] =	ssyncadd.tile.s32 @!p0 $0x1;
	_ =	shalt  }
.Lfunc_end2:
_tile_overlayer_lowered:
.L_overlay_start_2:
0x6c: {  	(tag) =	ssettag $0x2  }
0x6d: {  	s0 =	rddreg [dreg:$0x0];
	s2 =	stileid.u32  }
0x6e: {  	s1 =	rddreg [dreg:$0x1];
	p0 =	sne.s32 s2, $0x0  }
0x6f: {  	s3 =	rddreg [dreg:$0x2];
	[bflag:$0x3] =	sbarrier.arrive $0xFFFF;
	s2 =	simm.s32 @!p0 $0x1C02  }
0x70: {  	[timem:s3], [sflag:s2] =	dma.local @!p0 [hbm:s0], s1  }
0x71: {  	s0 =	simm.s32 @!p0 $0x2  }
0x72: {  	_ =	swait.ge @!p0 [sflag:s0], s1  }
0x73: {  	s1 =	ssub.s32 @!p0 $0x0, s1;
	[sflag:s0] =	ssyncset.done @!p0 $0x0  }
0x74: {  	[sflag:s0] =	ssyncadd.s32 @!p0 s1  }
0x75: {  	[bflag:$0x3] =	sbarrier.arrive $0xFFFF  }
0x76: {  	_ =	shalt  }

// kernel: kernel.8.cloned.1.call-start
scs
__scs_entry_jumppad:
0x0: {  	(pc) =	sbr.rel $0x88, $3  }
0x1: {  	(tag) =	ssettag $0x0;
	lr =	simm.s32 $0x1  }
0x2: {  	[smem:$0x3F93] =	sst lr;
	_ =	strace $0xD0000000  }
0x3: {  	_ = 	snop  }
0x4: {  	_ = 	snop  }
0x5: {  	_ = 	snop  }
0x6: {  	_ = 	snop  }
0x7: {  	_ = 	snop  }
__scs_overlays_trampoline_lowered:
0x8: {  	[smem:$0x3FA2] =	sst s0  }
0x9: {  	[smem:$0x3FA3] =	sst s1  }
0xa: {  	[smem:$0x3FA4] =	sst s2  }
0xb: {  	[smem:$0x3FA5] =	sst s3  }
0xc: {  	[smem:$0x3FA6] =	sst s4  }
0xd: {  	[smem:$0x3FA7] =	sst s5  }
0xe: {  	[smem:$0x3FA8] =	sst s6  }
0xf: {  	[smem:$0x3FA9] =	sst s7  }
0x10: {  	[smem:$0x3FAA] =	sst s8  }
0x11: {  	[smem:$0x3FAB] =	sst s9;
	s0 =	simm.s32 @!p0 $0x0  }
0x12: {  	s1 =	sld [smem:$0x3F91];
	s0 =	simm.s32 @p0 $0x1  }
0x13: {  	[smem:$0x3FAC] =	sst s0;
	s0 =	simm.s32 @!p1 $0x0  }
0x14: {  	s2 =	sld [smem:$0x3F90];
	s0 =	simm.s32 @p1 $0x1  }
0x15: {  	[smem:$0x3FAD] =	sst s0;
	s0 =	simm.s32 @!p2 $0x0  }
0x16: {  	s3 =	sld [smem:$0x3FDB];
	s0 =	simm.s32 @p2 $0x1  }
0x17: {  	s4 =	simm.s32 $0x1BF5;
	[smem:$0x3FAF] =	sst s0  }
0x18: {  	s0 =	sld [smem:$0x3F92];
	_ =	swait.ge [sflag:s4], $0x0  }
0x19: {  	s7 =	sld [smem:$0x3F93]  }
0x1a: {  	s8 =	sadd.s32 $0xFFFFE003, lr  }
0x1b: {  	s9 =	sadd.s32 $0xFFFFFEF7, lr;
	s5 =	simm.s32 $0xFFFFFFFF;
	p2 =	slt.u32 s8, $0xFFFFF086  }
0x1c: {  	p1 =	slt.u32 s9, $0xF7A;
	s5 =	simm.s32 @!p2 $0x0  }
0x1d: {  	s5 =	simm.s32 @p1 $0x1;
	p0 =	seq.s32 s7, s2  }
0x1e: {  	s7 =	smul.u32 @!p0 $0xF7A, s2;
	p2 =	seq.s32 @!p0 s5, $0x0  }
0x1f: {  	s9 =	smul.u32 $0xF7A, s1;
	s8 =	simm.s32 @!p0 $0x1BF5;
	p2 =	por !p2, p0  }
0x20: {  	[sflag:s8] =	ssyncset.s32 @!p0 $0xFFFFF086;
	s6 =	sadd.s32 @!p0 s3, s7;
	s7 =	simm.s32 @!p0 $0x108  }
0x21: {  	s3 =	sadd.s32 s3, s9;
	s6 =	sadd.s32 @!p0 $0x88, s6;
	s7 =	simm.s32 @p2 $0x1082  }
0x22: {  	[simem:s7], [sflag:s8] =	dma.local @!p0 [hbm:s6], $0xF7A  }
0x23: {  	s9 =	sor.u32 $0xD0000000, s2;
	s6 =	simm.s32 $0x108;
	_ =	swait.ge @!p0 [sflag:s8], $0x0  }
0x24: {  	s3 =	sadd.s32 $0x88, s3;
	s6 =	simm.s32 @!p1 $0x1082;
	[sflag:s4] =	ssyncset.s32 $0xFFFFF086  }
0x25: {  	[simem:s6], [sflag:s4] =	dma.local [hbm:s3], $0xF7A  }
0x26: {  	[smem:$0x3F93] =	sst s1;
	(tag) =	ssettag s2;
	_ =	strace s9  }
0x27: {  	s1 =	sld [smem:$0x3FA3]  }
0x28: {  	s2 =	sld [smem:$0x3FA4]  }
0x29: {  	s4 =	sld [smem:$0x3FA6]  }
0x2a: {  	p0 =	seq.s32 s5, $0x0;
	s5 =	sld [smem:$0x3FA7]  }
0x2b: {  	s6 =	sld [smem:$0x3FA8]  }
0x2c: {  	s7 =	sld [smem:$0x3FA9]  }
0x2d: {  	s3 =	simm.s32 $0x108;
	s8 =	sld [smem:$0x3FAA]  }
0x2e: {  	s3 =	simm.s32 @!p0 $0x1082;
	s9 =	sld [smem:$0x3FAB]  }
0x2f: {  	lr =	sadd.s32 s0, s3;
	s0 =	sld [smem:$0x3FA2]  }
0x30: {  	s3 =	sld [smem:$0x3FA5]  }
0x31: {  	[smem:$0x3FAE] =	sst s10  }
0x32: {  	s10 =	sld [smem:$0x3FAC];
	_ =	sdelay $0x3  }
0x33: {  	p0 =	seq.s32 s10, $0x1;
	s10 =	sld [smem:$0x3FAE];
	_ =	sdelay $0x3  }
0x34: {  	[smem:$0x3FAE] =	sst s10  }
0x35: {  	s10 =	sld [smem:$0x3FAD];
	_ =	sdelay $0x3  }
0x36: {  	p1 =	seq.s32 s10, $0x1;
	s10 =	sld [smem:$0x3FAE];
	_ =	sdelay $0x3  }
0x37: {  	[smem:$0x3FAE] =	sst s10  }
0x38: {  	s10 =	sld [smem:$0x3FAF]  }
0x39: {  	_ = 	snop;
	(pc) =	sbr.ind lr, $3  }
0x3a: {  	_ = 	snop  }
0x3b: {  	_ = 	snop  }
0x3c: {  	p2 =	seq.s32 s10, $0x1;
	s10 =	sld [smem:$0x3FAE]  }
0x3d: {  	_ =	shalt  }
0x3e: {  	_ =	shalt  }
0x3f: {  	_ =	shalt  }
0x40: {  	_ =	shalt  }
0x41: {  	_ =	shalt  }
0x42: {  	_ =	shalt  }
0x43: {  	_ =	shalt  }
0x44: {  	_ =	shalt  }
0x45: {  	_ =	shalt  }
0x46: {  	_ =	shalt  }
0x47: {  	_ =	shalt  }
0x48: {  	_ =	shalt  }
0x49: {  	_ =	shalt  }
0x4a: {  	_ =	shalt  }
0x4b: {  	_ =	shalt  }
0x4c: {  	_ =	shalt  }
0x4d: {  	_ =	shalt  }
0x4e: {  	_ =	shalt  }
0x4f: {  	_ =	shalt  }
0x50: {  	_ =	shalt  }
0x51: {  	_ =	shalt  }
0x52: {  	_ =	shalt  }
0x53: {  	_ =	shalt  }
0x54: {  	_ =	shalt  }
0x55: {  	_ =	shalt  }
0x56: {  	_ =	shalt  }
0x57: {  	_ =	shalt  }
0x58: {  	_ =	shalt  }
0x59: {  	_ =	shalt  }
0x5a: {  	_ =	shalt  }
0x5b: {  	_ =	shalt  }
0x5c: {  	_ =	shalt  }
0x5d: {  	_ =	shalt  }
0x5e: {  	_ =	shalt  }
0x5f: {  	_ =	shalt  }
0x60: {  	_ =	shalt  }
0x61: {  	_ =	shalt  }
0x62: {  	_ =	shalt  }
0x63: {  	_ =	shalt  }
0x64: {  	_ =	shalt  }
0x65: {  	_ =	shalt  }
0x66: {  	_ =	shalt  }
0x67: {  	_ =	shalt  }
0x68: {  	_ =	shalt  }
0x69: {  	_ =	shalt  }
0x6a: {  	_ =	shalt  }
0x6b: {  	_ =	shalt  }
0x6c: {  	_ =	shalt  }
0x6d: {  	_ =	shalt  }
0x6e: {  	_ =	shalt  }
0x6f: {  	_ =	shalt  }
0x70: {  	_ =	shalt  }
0x71: {  	_ =	shalt  }
0x72: {  	_ =	shalt  }
0x73: {  	_ =	shalt  }
0x74: {  	_ =	shalt  }
0x75: {  	_ =	shalt  }
0x76: {  	_ =	shalt  }
0x77: {  	_ =	shalt  }
0x78: {  	_ =	shalt  }
0x79: {  	_ =	shalt  }
0x7a: {  	_ =	shalt  }
0x7b: {  	_ =	shalt  }
0x7c: {  	_ =	shalt  }
0x7d: {  	_ =	shalt  }
0x7e: {  	_ =	shalt  }
0x7f: {  	_ =	shalt  }
0x80: {  	_ =	shalt  }
0x81: {  	_ =	shalt  }
0x82: {  	_ =	shalt  }
0x83: {  	_ =	shalt  }
0x84: {  	_ =	shalt  }
0x85: {  	_ =	shalt  }
0x86: {  	_ =	shalt  }
0x87: {  	_ =	shalt  }
.Lfunc_end0:
.L_simem_size_0:
called_computation_lowered:
.L_overlay_start_0:
0x88: {  	s2 =	sld [smem:$0x3FD9]  }
0x89: {  	s3 =	sld [smem:$0x3FFE];
	_ =	sdelay $0x1  }
0x8a: {  	s1 =	srdreg.scid  }
0x8b: {  	s0 =	sand.u32 $0x1, s1  }
0x8c: {  	s17 =	sshll.u32 s0, $0xA;
	s2 =	sadd.s32 s3, s2  }
0x8d: {  	s2 =	sadd.s32 s2, s17  }
0x8e: {  	[smem:$0x3FBA] =	sst s2  }
0x8f: {  	_ = 	snop  }
0x90: {  	(tm) =	ssettm $0x1  }
0x91: {  	s18 =	sld [smem:$0x3FFB];
	_ =	sdelay $0x3  }
0x92: {  	_ =	strace s18  }
0x93: {  	s2 =	sld [smem:$0x3FFC];
	_ =	sdelay $0x3  }
0x94: {  	_ =	strace s2  }
0x95: {  	s2 =	sld [smem:$0x3FFD];
	_ =	sdelay $0x3  }
0x96: {  	_ =	strace s2  }
0x97: {  	_ =	strace $0x8FFFFFFF  }
0x98: {  	s19 =	sld [smem:$0x3FDB];
	_ =	sdelay $0x1  }
0x99: {  	s20 =	simm.s32 $_scs_section_size  }
0x9a: {  	s4 =	simm.s32 $_size__tile_overlayer_lowered;
	s5 =	simm.s32 $_tile_overlayer_lowered  }
0x9b: {  	s6 =	simm.s32 $0x1BFF;
	s21 =	sshll.u32 s5, $0x1;
	s3 =	sadd.s32 s20, s19  }
0x9c: {  	s22 =	simm.s32 $0x0;
	s4 =	sshll.u32 s4, $0x1;
	s5 =	sadd.s32 s21, s3  }
0x9d: {  	[timem:s22], [sflag:s6] =	dma.local [hbm:s5], s4  }
0x9e: {  	_ =	swait.ge [sflag:s6], s4  }
0x9f: {  	s4 =	ssub.s32 $0x0, s4;
	[sflag:s6] =	ssyncset.done $0x0  }
0xa0: {  	[sflag:s6] =	ssyncadd.s32 s4;
	_ =	sdelay $0x1  }
0xa1: {  	s23 =	simm.s32 $0x1B8B  }
0xa2: {  	_ =	swait.ge [sflag:s23], $0x1  }
0xa3: {  	[sflag:s23] =	ssyncset.done $0x0  }
0xa4: {  	[sflag:s23] =	ssyncadd.s32 $0xFFFFFFFF  }
0xa5: {  	s4 =	sld [smem:$0x0]  }
0xa6: {  	s5 =	sand.u32 $0xFFFFFFFE, s1  }
0xa7: {  	p0 =	sne.s32 s1, s5  }
0xa8: {  	s5 =	sshll.u32 @p0 s5, $0xE  }
0xa9: {  	s5 =	sadd.s32 @p0 $0x11B8D, s5;
	s6 =	sshll.u32 @p0 s4, $0x11  }
0xaa: {  	s5 =	sor.u32 @p0 s6, s5  }
0xab: {  	[sflag:s5] =	ssyncadd.remote.s32 @p0 $0x1;
	_ =	sdelay $0x1  }
0xac: {  	s5 =	simm.s32 @p0 $0x1B8D  }
0xad: {  	_ =	swait.eq @p0 [sflag:s5], $0x1  }
0xae: {  	[sflag:s5] =	ssyncadd.s32 @p0 $0xFFFFFFFF  }
0xaf: {  	s6 =	sshll.u32 @!p0 s1, $0xE  }
0xb0: {  	s6 =	sor.u32 @!p0 $0x4000, s6;
	s5 =	simm.s32 @!p0 $0x1B8D  }
0xb1: {  	s4 =	sshll.u32 @!p0 s4, $0x11;
	s6 =	sadd.s32 @!p0 $0x11B8D, s6;
	_ =	swait.eq @!p0 [sflag:s5], $0x1  }
0xb2: {  	s4 =	sor.u32 @!p0 s4, s6;
	[sflag:s5] =	ssyncadd.s32 @!p0 $0xFFFFFFFF  }
0xb3: {  	s25 =	simm.s32 $0x1B8E;
	s24 =	sld [smem:$0x3FFE];
	[sflag:s4] =	ssyncadd.remote.s32 @!p0 $0x1  }
0xb4: {  	s26 =	simm.s32 $execute0_lowered;
	[smem:$0x3FD2] =	sst s25  }
0xb5: {  	s5 =	sshll.u32 s26, $0x1;
	_ =	strace $0x80000049;
	[dreg:$0x1] =	wrdreg $0xFFFFFFFF  }
0xb6: {  	s28 =	simm.s32 $_size_execute0_lowered;
	s3 =	sadd.s32 s3, s5;
	[dreg:$0x0] =	wrdreg $0x0  }
0xb7: {  	s5 =	sshll.u32 s28, $0x1;
	[dreg:$0x2] =	wrdreg s3  }
0xb8: {  	[dreg:$0x3] =	wrdreg s5  }
0xb9: {  	[dreg:$0x4] =	wrdreg $0xC0  }
0xba: {  	_ =	task [dreg:s22], $0x5FFFF  }
0xbb: {  	[dreg:$0x1] =	wrdreg $0xFFFFFFFF  }
0xbc: {  	[dreg:$0x0] =	wrdreg $0x60  }
0xbd: {  	[dreg:$0x2] =	wrdreg s24  }
0xbe: {  	[dreg:$0x3] =	wrdreg $0x9  }
0xbf: {  	_ =	task.clear_ibuf [dreg:s22], $0x4FFFF;
	_ =	strace $0x90000049  }
0xc0: {  	s29 =	simm.s32 $0x9;
	_ =	strace $0x8000004B  }
0xc1: {  	_ =	swait.ge [sflag:s29], $0x1  }
0xc2: {  	[sflag:s29] =	ssyncadd.s32 $0xFFFFFFFF  }
0xc3: {  	_ =	strace $0x9000004B  }
0xc4: {  	_ =	sfence  }
0xc5: {  	s30 =	sld [smem:$0x0];
	_ =	sdelay $0x2  }
0xc6: {  	s31 =	sshll.u32 s1, $0xD;
	s1 =	sshrl.u32 s1, $0x2  }
0xc7: {  	s4 =	sand.u32 $0x4000, s31;
	s1 =	sadd.s32 s1, s30  }
0xc8: {  	s0 =	sor.u32 s4, s0;
	s1 =	sshll.u32 s1, $0x11  }
0xc9: {  	s0 =	sor.u32 s1, s0  }
0xca: {  	s0 =	sadd.s32 $0x8F2B, s0  }
0xcb: {  	[sflag:s0] =	ssyncadd.remote.s32 $0x1  }
0xcc: {  	_ =	sfence.sel $0xFFFF  }
0xcd: {  	[dreg:$0x0] =	wrdreg $0xFFFFFFFF;
	(pc) =	sbr.abs _section_cstart, $3  }
0xce: {  	[dreg:$0x1] =	wrdreg $0xFFFFFFFF  }
0xcf: {  	_ =	task.clear_ibuf [dreg:s22], $0x2FFFF;
	_ =	strace $0x9FFFFFFF  }
0xd0: {  	(tm) =	ssettm $0x7FFFFFFF  }
0xd1: {  	_ =	shalt  }
tec
execute0_lowered:
.L_overlay_start_1:
0x0: {  	(tag) =	ssettag $0x1  }
0x1: {  	s1 =	srdreg.scid  }
0x2: {  	s0 =	stileid.u32;
	s14 =	sand.u32 $0x1, s1  }
0x3: {  	s8 =	rddreg [dreg:$0x0];
	s3 =	sshll.u32 s0, $0xC;
	s4 =	sshll.u32 s14, $0xB  }
0x4: {  	s2 =	simm.s32 $0x0;
	s1 =	rddreg [dreg:$0x1];
	s13 =	sor.u32 s4, s3  }
0x5: {  	[smem:$0x7FF] =	sst s2;
	s15 =	sadd.s32 $0x112E00, s8;
	s3 =	sshrl.u32 s13, $0x3  }
0x6: {  	_ =	strace $0x8000004A;
	s4 =	sadd.s32 s15, s3;
	s3 =	simm.s32 $0x2  }
0x7: {  	[tilespmem:s2], [sflag:$0x2] =	stream.linear.gather [hbm4b:s4+s2], $0x200, $0x38;
	[tilespmem:$0x10200] =	vst v63  }
0x8: {  	_ =	swait.ge [sflag:s3], $0x200  }
0x9: {  	s6 =	simm.s32 $0x200;
	[sflag:s3] =	ssyncset.done $0x0  }
0xa: {  	s7 =	simm.s32 $0x1;
	s5 =	sadd.s32 $0x2E00, s8;
	[sflag:s3] =	ssyncadd.s32 $0xFFFFFE00  }
0xb: {  	[tilespmem:s6], [sflag:$0x1] =	stream.indirect.gather [hbm4b:s5+s6], $0x80, s2, s6, $0xb8;
	[tilespmem:$0x10200] =	vst v63  }
0xc: {  	_ =	swait.ge [sflag:s7], $0x10000  }
0xd: {  	s16 =	sadd.s32 $0x114E00, s8;
	s29 =	sshll.u32 s13, $0x4;
	[sflag:s7] =	ssyncset.done $0x0  }
0xe: {  	s8 =	sadd.s32 s16, s29;
	[sflag:s7] =	ssyncadd.s32 $0xFFFF0000  }
0xf: {  	[hbm4b:s8+s2] =	stream.linear.scatter [tilespmem:s6], [sflag:$0x2], $0x10000, $0x38;
	[tilespmem:$0x10200] =	vst v63  }
0x10: {  	s10 =	sor.u32 $0x200, s13;
	_ =	swait.ge [sflag:s3], $0x10000  }
0x11: {  	s9 =	sshrl.u32 s10, $0x3;
	[sflag:s3] =	ssyncset.done $0x0  }
0x12: {  	s9 =	sadd.s32 s15, s9;
	[sflag:s3] =	ssyncadd.s32 $0xFFFF0000  }
0x13: {  	[tilespmem:s2], [sflag:$0x2] =	stream.linear.gather [hbm4b:s9+s2], $0x200, $0x38;
	[tilespmem:$0x10200] =	vst v63  }
0x14: {  	_ =	swait.ge [sflag:s3], $0x200  }
0x15: {  	[sflag:s3] =	ssyncset.done $0x0  }
0x16: {  	[sflag:s3] =	ssyncadd.s32 $0xFFFFFE00  }
0x17: {  	[tilespmem:s6], [sflag:$0x1] =	stream.indirect.gather [hbm4b:s5+s6], $0x80, s2, s6, $0xb8;
	[tilespmem:$0x10200] =	vst v63  }
0x18: {  	_ =	swait.ge [sflag:s7], $0x10000  }
0x19: {  	s10 =	sshll.u32 s10, $0x4;
	[sflag:s7] =	ssyncset.done $0x0  }
0x1a: {  	s10 =	sadd.s32 s16, s10;
	[sflag:s7] =	ssyncadd.s32 $0xFFFF0000  }
0x1b: {  	[hbm4b:s10+s2] =	stream.linear.scatter [tilespmem:s6], [sflag:$0x2], $0x10000, $0x38;
	[tilespmem:$0x10200] =	vst v63  }
0x1c: {  	s12 =	sor.u32 $0x400, s13;
	_ =	swait.ge [sflag:s3], $0x10000  }
0x1d: {  	s11 =	sshrl.u32 s12, $0x3;
	[sflag:s3] =	ssyncset.done $0x0  }
0x1e: {  	s11 =	sadd.s32 s15, s11;
	[sflag:s3] =	ssyncadd.s32 $0xFFFF0000  }
0x1f: {  	[tilespmem:s2], [sflag:$0x2] =	stream.linear.gather [hbm4b:s11+s2], $0x200, $0x38;
	[tilespmem:$0x10200] =	vst v63  }
0x20: {  	_ =	swait.ge [sflag:s3], $0x200  }
0x21: {  	[sflag:s3] =	ssyncset.done $0x0  }
0x22: {  	[sflag:s3] =	ssyncadd.s32 $0xFFFFFE00  }
0x23: {  	[tilespmem:s6], [sflag:$0x1] =	stream.indirect.gather [hbm4b:s5+s6], $0x80, s2, s6, $0xb8;
	[tilespmem:$0x10200] =	vst v63  }
0x24: {  	_ =	swait.ge [sflag:s7], $0x10000  }
0x25: {  	s12 =	sshll.u32 s12, $0x4;
	[sflag:s7] =	ssyncset.done $0x0  }
0x26: {  	s12 =	sadd.s32 s16, s12;
	[sflag:s7] =	ssyncadd.s32 $0xFFFF0000  }
0x27: {  	[hbm4b:s12+s2] =	stream.linear.scatter [tilespmem:s6], [sflag:$0x2], $0x10000, $0x38;
	[tilespmem:$0x10200] =	vst v63  }
0x28: {  	s17 =	sor.u32 $0x600, s13;
	_ =	swait.ge [sflag:s3], $0x10000  }
0x29: {  	s13 =	sshrl.u32 s17, $0x3;
	[sflag:s3] =	ssyncset.done $0x0  }
0x2a: {  	s14 =	ssub.s32 $0x2, s14;
	s13 =	sadd.s32 s15, s13;
	[sflag:s3] =	ssyncadd.s32 $0xFFFF0000  }
0x2b: {  	[tilespmem:s2], [sflag:$0x2] =	stream.linear.gather [hbm4b:s13+s2], $0x200, $0x38;
	[tilespmem:$0x10200] =	vst v63  }
0x2c: {  	s30 =	sshrl.u32 s14, $0x1;
	_ =	swait.ge [sflag:s3], $0x200  }
0x2d: {  	s15 =	ssub.s32 s14, s30;
	[sflag:s3] =	ssyncset.done $0x0  }
0x2e: {  	s15 =	smax.u32 s15, $0x1;
	[sflag:s3] =	ssyncadd.s32 $0xFFFFFE00  }
0x2f: {  	[tilespmem:s6], [sflag:$0x1] =	stream.indirect.gather [hbm4b:s5+s6], $0x80, s2, s6, $0xb8;
	[tilespmem:$0x10200] =	vst v63  }
0x30: {  	p0 =	sne.s32 s15, $0x1;
	_ =	swait.ge [sflag:s7], $0x10000  }
.Ltmp0:
0x31: {  	s31 =	sshll.u32 s17, $0x4;
	[sflag:s7] =	ssyncset.done $0x0;
	(pc) =	sbr.rel @!p0 .LBB2_2-.Ltmp0, $4  }
0x32: {  	s14 =	sadd.s32 s16, s31;
	[sflag:s7] =	ssyncadd.s32 $0xFFFF0000  }
0x33: {  	[hbm4b:s14+s2] =	stream.linear.scatter [tilespmem:s6], [sflag:$0x2], $0x10000, $0x38;
	[tilespmem:$0x10200] =	vst v63  }
0x34: {  	_ =	swait.ge [sflag:s3], $0x10000  }
0x35: {  	s15 =	sadd.s32 $0xFFFFFFFF, s15;
	[sflag:s3] =	ssyncset.done $0x0  }
.LBB2_1:
0x36: {  	p0 =	sne.s32 s15, $0x1;
	s15 =	sadd.s32 $0xFFFFFFFF, s15;
	[sflag:s3] =	ssyncadd.s32 $0xFFFF0000  }
0x37: {  	[tilespmem:s2], [sflag:$0x2] =	stream.linear.gather [hbm4b:s4+s2], $0x200, $0x38;
	[tilespmem:$0x10200] =	vst v63  }
0x38: {  	_ =	swait.ge [sflag:s3], $0x200  }
0x39: {  	[sflag:s3] =	ssyncset.done $0x0  }
0x3a: {  	[sflag:s3] =	ssyncadd.s32 $0xFFFFFE00  }
0x3b: {  	[tilespmem:s6], [sflag:$0x1] =	stream.indirect.gather [hbm4b:s5+s6], $0x80, s2, s6, $0xb8;
	[tilespmem:$0x10200] =	vst v63  }
0x3c: {  	_ =	swait.ge [sflag:s7], $0x10000  }
0x3d: {  	[sflag:s7] =	ssyncset.done $0x0  }
0x3e: {  	[sflag:s7] =	ssyncadd.s32 $0xFFFF0000  }
0x3f: {  	[hbm4b:s8+s2] =	stream.linear.scatter [tilespmem:s6], [sflag:$0x2], $0x10000, $0x38;
	[tilespmem:$0x10200] =	vst v63  }
0x40: {  	_ =	swait.ge [sflag:s3], $0x10000  }
0x41: {  	[sflag:s3] =	ssyncset.done $0x0  }
0x42: {  	[sflag:s3] =	ssyncadd.s32 $0xFFFF0000  }
0x43: {  	[tilespmem:s2], [sflag:$0x2] =	stream.linear.gather [hbm4b:s9+s2], $0x200, $0x38;
	[tilespmem:$0x10200] =	vst v63  }
0x44: {  	_ =	swait.ge [sflag:s3], $0x200  }
0x45: {  	[sflag:s3] =	ssyncset.done $0x0  }
0x46: {  	[sflag:s3] =	ssyncadd.s32 $0xFFFFFE00  }
0x47: {  	[tilespmem:s6], [sflag:$0x1] =	stream.indirect.gather [hbm4b:s5+s6], $0x80, s2, s6, $0xb8;
	[tilespmem:$0x10200] =	vst v63  }
0x48: {  	_ =	swait.ge [sflag:s7], $0x10000  }
0x49: {  	[sflag:s7] =	ssyncset.done $0x0  }
0x4a: {  	[sflag:s7] =	ssyncadd.s32 $0xFFFF0000  }
0x4b: {  	[hbm4b:s10+s2] =	stream.linear.scatter [tilespmem:s6], [sflag:$0x2], $0x10000, $0x38;
	[tilespmem:$0x10200] =	vst v63  }
0x4c: {  	_ =	swait.ge [sflag:s3], $0x10000  }
0x4d: {  	[sflag:s3] =	ssyncset.done $0x0  }
0x4e: {  	[sflag:s3] =	ssyncadd.s32 $0xFFFF0000  }
0x4f: {  	[tilespmem:s2], [sflag:$0x2] =	stream.linear.gather [hbm4b:s11+s2], $0x200, $0x38;
	[tilespmem:$0x10200] =	vst v63  }
0x50: {  	_ =	swait.ge [sflag:s3], $0x200  }
0x51: {  	[sflag:s3] =	ssyncset.done $0x0  }
0x52: {  	[sflag:s3] =	ssyncadd.s32 $0xFFFFFE00  }
0x53: {  	[tilespmem:s6], [sflag:$0x1] =	stream.indirect.gather [hbm4b:s5+s6], $0x80, s2, s6, $0xb8;
	[tilespmem:$0x10200] =	vst v63  }
0x54: {  	_ =	swait.ge [sflag:s7], $0x10000  }
0x55: {  	[sflag:s7] =	ssyncset.done $0x0  }
0x56: {  	[sflag:s7] =	ssyncadd.s32 $0xFFFF0000  }
0x57: {  	[hbm4b:s12+s2] =	stream.linear.scatter [tilespmem:s6], [sflag:$0x2], $0x10000, $0x38;
	[tilespmem:$0x10200] =	vst v63  }
0x58: {  	_ =	swait.ge [sflag:s3], $0x10000  }
0x59: {  	[sflag:s3] =	ssyncset.done $0x0  }
0x5a: {  	[sflag:s3] =	ssyncadd.s32 $0xFFFF0000  }
0x5b: {  	[tilespmem:s2], [sflag:$0x2] =	stream.linear.gather [hbm4b:s13+s2], $0x200, $0x38;
	[tilespmem:$0x10200] =	vst v63  }
0x5c: {  	_ =	swait.ge [sflag:s3], $0x200  }
0x5d: {  	[sflag:s3] =	ssyncset.done $0x0  }
0x5e: {  	[sflag:s3] =	ssyncadd.s32 $0xFFFFFE00  }
0x5f: {  	[tilespmem:s6], [sflag:$0x1] =	stream.indirect.gather [hbm4b:s5+s6], $0x80, s2, s6, $0xb8;
	[tilespmem:$0x10200] =	vst v63  }
0x60: {  	_ =	swait.ge [sflag:s7], $0x10000  }
.Ltmp1:
0x61: {  	[sflag:s7] =	ssyncset.done $0x0;
	(pc) =	sbr.rel @p0 .LBB2_1-.Ltmp1, $4  }
0x62: {  	[sflag:s7] =	ssyncadd.s32 $0xFFFF0000  }
0x63: {  	[hbm4b:s14+s2] =	stream.linear.scatter [tilespmem:s6], [sflag:$0x2], $0x10000, $0x38;
	[tilespmem:$0x10200] =	vst v63  }
0x64: {  	_ =	swait.ge [sflag:s3], $0x10000  }
0x65: {  	[sflag:s3] =	ssyncset.done $0x0  }
.LBB2_2:
0x66: {  	[sflag:s3] =	ssyncadd.s32 $0xFFFF0000  }
0x67: {  	_ =	sfence.sel $0x180000  }
0x68: {  	[bflag:$0x0] =	sbarrier.arrive $0xFFFF  }
0x69: {  	p0 =	sne.s32 s0, $0x0;
	_ =	strace $0x9000004A  }
0x6a: {  	s0 =	sadd.s32 @!p0 $0x100000, s1;
	[bflag:$0x2] =	sbarrier.arrive $0xFFFF  }
0x6b: {  	[sflag:s0] =	ssyncadd.tile.s32 @!p0 $0x1;
	_ =	shalt  }
.Lfunc_end2:
_tile_overlayer_lowered:
.L_overlay_start_2:
0x6c: {  	(tag) =	ssettag $0x2  }
0x6d: {  	s0 =	rddreg [dreg:$0x0];
	s2 =	stileid.u32  }
0x6e: {  	s1 =	rddreg [dreg:$0x1];
	p0 =	sne.s32 s2, $0x0  }
0x6f: {  	s3 =	rddreg [dreg:$0x2];
	[bflag:$0x3] =	sbarrier.arrive $0xFFFF;
	s2 =	simm.s32 @!p0 $0x1C02  }
0x70: {  	[timem:s3], [sflag:s2] =	dma.local @!p0 [hbm:s0], s1  }
0x71: {  	s0 =	simm.s32 @!p0 $0x2  }
0x72: {  	_ =	swait.ge @!p0 [sflag:s0], s1  }
0x73: {  	s1 =	ssub.s32 @!p0 $0x0, s1;
	[sflag:s0] =	ssyncset.done @!p0 $0x0  }
0x74: {  	[sflag:s0] =	ssyncadd.s32 @!p0 s1  }
0x75: {  	[bflag:$0x3] =	sbarrier.arrive $0xFFFF  }
0x76: {  	_ =	shalt  }

</sc_bundles>
